<compile_context>
chip_gen: v7x
topology: tpu7x:2x2x1
jax: 0.10.2.dev20260603
libtpu: 0.0.44.dev20260713+nightly
codegen_flags: <defaults>
</compile_context>

<pallas_src>
import functools

import jax
import jax.numpy as jnp
from jax import lax
from jax.experimental import pallas as pl
from jax.experimental.pallas import tpu as pltpu
from jax.experimental.pallas import tpu_sc as plsc

N = 10000
E = 320000
D = 128
HP = 16
CHUNK = 128
NC = 2
NS = 16
NW = NC * NS
CHUNKS_PER_W = 79
TOTAL_CHUNKS = NW * CHUNKS_PER_W
E_PAD = TOTAL_CHUNKS * CHUNK
NPAD = 10240
ROWS_PER_TILE = NPAD // NS
NBLK = 640
EBLK = 1264

_GDN = lax.GatherDimensionNumbers(
    offset_dims=(), collapsed_slice_dims=(0,), start_index_map=(0,))


def _splat(vec, h):
    idx = jnp.full((16, 1), h, jnp.int32)
    return lax.gather(vec, idx, _GDN, (1,),
                      mode=lax.GatherScatterMode.PROMISE_IN_BOUNDS)


def _sel8(rows, cols):
    k = lax.broadcasted_iota(jnp.int32, (rows, cols), 0) // 16
    h = lax.broadcasted_iota(jnp.int32, (rows, cols), 1)
    return ((k == h) & (h < 8)).astype(jnp.float32)


def _pre_body(x_ref, wg_ref, asf_ref, adf_ref, xp_ref, asrc_ref, adst_ref):
    xp = jnp.dot(x_ref[...], wg_ref[...], preferred_element_type=jnp.float32)
    xp_ref[...] = xp
    sel = _sel8(D, HP)
    asrc_ref[...] = jnp.dot(xp * asf_ref[...], sel,
                            preferred_element_type=jnp.float32)
    adst_ref[...] = jnp.dot(xp * adf_ref[...], sel,
                            preferred_element_type=jnp.float32)


def _tc_pre(x, wg, asf, adf):
    return pl.pallas_call(
        _pre_body,
        grid=(NPAD // NBLK,),
        in_specs=[
            pl.BlockSpec((NBLK, D), lambda i: (i, 0)),
            pl.BlockSpec((D, D), lambda i: (0, 0)),
            pl.BlockSpec((1, D), lambda i: (0, 0)),
            pl.BlockSpec((1, D), lambda i: (0, 0)),
        ],
        out_specs=[
            pl.BlockSpec((NBLK, D), lambda i: (i, 0)),
            pl.BlockSpec((NBLK, HP), lambda i: (i, 0)),
            pl.BlockSpec((NBLK, HP), lambda i: (i, 0)),
        ],
        out_shape=[
            jax.ShapeDtypeStruct((NPAD, D), jnp.float32),
            jax.ShapeDtypeStruct((NPAD, HP), jnp.float32),
            jax.ShapeDtypeStruct((NPAD, HP), jnp.float32),
        ],
    )(x, wg, asf, adf)


def _edge_body(eattr_ref, we_ref, aef_ref, out_ref):
    m = jnp.dot(we_ref[...] * aef_ref[...], _sel8(D, HP),
                preferred_element_type=jnp.float32)
    p1 = (lax.broadcasted_iota(jnp.int32, (32, 4), 0) % 4
          == lax.broadcasted_iota(jnp.int32, (32, 4), 1)).astype(jnp.float32)
    p2 = (lax.broadcasted_iota(jnp.int32, (HP, D), 1) % HP
          == lax.broadcasted_iota(jnp.int32, (HP, D), 0)).astype(jnp.float32)
    blk = (lax.broadcasted_iota(jnp.int32, (32, D), 0) // 4
           == lax.broadcasted_iota(jnp.int32, (32, D), 1) // HP)
    k = jnp.dot(jnp.dot(p1, m, preferred_element_type=jnp.float32), p2,
                preferred_element_type=jnp.float32) * blk.astype(jnp.float32)
    out_ref[...] = jnp.dot(eattr_ref[...], k,
                           preferred_element_type=jnp.float32)


def _tc_edge(eattr2d, we, aef):
    return pl.pallas_call(
        _edge_body,
        grid=(E_PAD // 8 // EBLK,),
        in_specs=[
            pl.BlockSpec((EBLK, 32), lambda i: (i, 0)),
            pl.BlockSpec((4, D), lambda i: (0, 0)),
            pl.BlockSpec((1, D), lambda i: (0, 0)),
        ],
        out_specs=pl.BlockSpec((EBLK, D), lambda i: (i, 0)),
        out_shape=jax.ShapeDtypeStruct((E_PAD // 8, D), jnp.float32),
    )(eattr2d, we, aef)


def _post_body(acc_ref, ss_ref, x_ref, b_ref, g_ref, be_ref, out_ref):
    acc = acc_ref[0] + acc_ref[1]
    ss = ss_ref[0] + ss_ref[1]
    expand = _sel8(D, HP).T
    den = jnp.dot(ss, expand, preferred_element_type=jnp.float32) + 1e-16
    out = acc / den + b_ref[...] + x_ref[...]
    mu = jnp.mean(out, axis=-1, keepdims=True)
    var = jnp.mean((out - mu) * (out - mu), axis=-1, keepdims=True)
    y = (out - mu) * lax.rsqrt(var + 1e-5) * g_ref[...] + be_ref[...]
    out_ref[...] = jnp.where(y > 0, y, jnp.exp(y) - 1.0)


def _tc_post(acc, ss, x, b, g, be):
    return pl.pallas_call(
        _post_body,
        grid=(N // 1000,),
        in_specs=[
            pl.BlockSpec((NC, 1000, D), lambda i: (0, i, 0)),
            pl.BlockSpec((NC, 1000, HP), lambda i: (0, i, 0)),
            pl.BlockSpec((1000, D), lambda i: (i, 0)),
            pl.BlockSpec((1, D), lambda i: (0, 0)),
            pl.BlockSpec((1, D), lambda i: (0, 0)),
            pl.BlockSpec((1, D), lambda i: (0, 0)),
        ],
        out_specs=pl.BlockSpec((1000, D), lambda i: (i, 0)),
        out_shape=jax.ShapeDtypeStruct((N, D), jnp.float32),
    )(acc, ss, x, b, g, be)


@functools.partial(
    pl.kernel,
    out_type=[
        jax.ShapeDtypeStruct((NC * NPAD, D), jnp.float32),
        jax.ShapeDtypeStruct((NC * NPAD, HP), jnp.float32),
    ],
    mesh=plsc.VectorSubcoreMesh(core_axis_name="c", subcore_axis_name="s"),
    compiler_params=pltpu.CompilerParams(use_tc_tiling_on_sc=False),
    scratch_types=[
        pltpu.VMEM((CHUNK,), jnp.int32),
        pltpu.VMEM((CHUNK,), jnp.int32),
        pltpu.VMEM((CHUNK // 8, D), jnp.float32),
        pltpu.VMEM((CHUNK, HP), jnp.float32),
        pltpu.VMEM((CHUNK, HP), jnp.float32),
        pltpu.VMEM((CHUNK, HP), jnp.float32),
        pltpu.VMEM((CHUNK, D), jnp.float32),
        pltpu.VMEM_SHARED((NPAD, D), jnp.float32),
        pltpu.VMEM_SHARED((NPAD, HP), jnp.float32),
        pltpu.SemaphoreType.DMA,
        pltpu.SemaphoreType.DMA,
        pltpu.SemaphoreType.DMA,
    ],
)
def _sc_edge(xp_hbm, asrc_hbm, adst_hbm, ae_hbm, src_hbm, dst_hbm,
             acc_out, ss_out,
             src_v, dst_v, ae_v, ea_v, as_v, ad_v, x_v,
             acc_sh, ss_sh, sem1, sem2, sem3):
    cid = lax.axis_index("c")
    sid = lax.axis_index("s")
    wid = sid * NC + cid
    row0 = sid * ROWS_PER_TILE

    z16 = jnp.zeros((16,), jnp.float32)

    def _zrow(r, _):
        for j in range(D // 16):
            x_v[r, pl.ds(j * 16, 16)] = z16
        ea_v[r, :] = z16
        return 0

    lax.fori_loop(0, CHUNK, _zrow, 0)
    for k in range(ROWS_PER_TILE // CHUNK):
        pltpu.sync_copy(x_v, acc_sh.at[pl.ds(row0 + k * CHUNK, CHUNK), :])
        pltpu.sync_copy(ea_v, ss_sh.at[pl.ds(row0 + k * CHUNK, CHUNK), :])
    plsc.subcore_barrier()

    def _chunk(t, _):
        c = wid * CHUNKS_PER_W + t
        base = c * CHUNK
        pltpu.sync_copy(src_hbm.at[pl.ds(base, CHUNK)], src_v)
        pltpu.sync_copy(dst_hbm.at[pl.ds(base, CHUNK)], dst_v)
        cp1 = pltpu.async_copy(asrc_hbm.at[src_v], as_v, sem1)
        cp2 = pltpu.async_copy(adst_hbm.at[dst_v], ad_v, sem2)
        cp3 = pltpu.async_copy(xp_hbm.at[src_v], x_v, sem3)
        pltpu.sync_copy(ae_hbm.at[pl.ds(c * (CHUNK // 8), CHUNK // 8), :],
                        ae_v)
        cp1.wait()
        cp2.wait()

        def _erow(r, _):
            for j in range(8):
                e = r * 8 + j
                v = (as_v[e, :] + ad_v[e, :] + ae_v[r, pl.ds(j * HP, 16)])
                ea_v[e, :] = jnp.exp(jnp.maximum(v, 0.2 * v))
            return 0

        lax.fori_loop(0, CHUNK // 8, _erow, 0)
        cp3.wait()

        def _mrow(e, _):
            ea = ea_v[e, :]
            for h in range(8):
                w = _splat(ea, h)
                x_v[e, pl.ds(h * 16, 16)] = x_v[e, pl.ds(h * 16, 16)] * w
            return 0

        lax.fori_loop(0, CHUNK, _mrow, 0)
        pltpu.sync_copy(x_v, acc_sh.at[dst_v], add=True)
        pltpu.sync_copy(ea_v, ss_sh.at[dst_v], add=True)
        return 0

    lax.fori_loop(0, CHUNKS_PER_W, _chunk, 0)
    plsc.subcore_barrier()
    pltpu.sync_copy(acc_sh.at[pl.ds(row0, ROWS_PER_TILE), :],
                    acc_out.at[pl.ds(cid * NPAD + row0, ROWS_PER_TILE), :])
    pltpu.sync_copy(ss_sh.at[pl.ds(row0, ROWS_PER_TILE), :],
                    ss_out.at[pl.ds(cid * NPAD + row0, ROWS_PER_TILE), :])


def kernel(x, edge_index, edge_attr, W_gat, att_src, att_dst, W_edge,
           att_edge, bias, gamma, beta):
    src = edge_index[0].astype(jnp.int32)
    dst = edge_index[1].astype(jnp.int32)
    pad_e = E_PAD - E
    srcp = jnp.concatenate([src, jnp.full((pad_e,), N, jnp.int32)])
    dstp = jnp.concatenate([dst, jnp.full((pad_e,), N, jnp.int32)])
    eap = jnp.concatenate(
        [edge_attr, jnp.zeros((pad_e, edge_attr.shape[1]), jnp.float32)])
    xpad = jnp.concatenate([x, jnp.zeros((NPAD - N, D), jnp.float32)])
    asf = att_src.reshape(1, D)
    adf = att_dst.reshape(1, D)
    aef = att_edge.reshape(1, D)
    xp, asrc, adst = _tc_pre(xpad, W_gat, asf, adf)
    ae = _tc_edge(eap.reshape(E_PAD // 8, 32), W_edge, aef)
    acc, ss = _sc_edge(xp, asrc, adst, ae, srcp, dstp)
    return _tc_post(acc.reshape(NC, NPAD, D), ss.reshape(NC, NPAD, HP),
                    x, bias.reshape(1, D), gamma.reshape(1, D),
                    beta.reshape(1, D))

# --- scband reference (transcript-rebuilt; emitter-appended) ---
"""Pipeline reference for scband-residual-gatblock-89644557402834 (READ-ONLY COPY).

The authoritative reference and input builder live on the scoring server;
editing this copy changes nothing except your own understanding.
"""

import jax, jax.numpy as jnp
import numpy as np

N = 10000
E = 320000
D = 128   # in_channels
H = 8     # heads
C = 16    # out_channels per head (H*C == D, so residual_proj is Identity)
ED = 4    # edge_dim


def setup_inputs(seed: int = 0) -> dict:
    key = jax.random.key(seed)
    ks = jax.random.split(key, 12)
    x = jax.random.normal(ks[0], (N, D), dtype=jnp.float32)
    edge_index = jax.random.randint(ks[1], (2, E), 0, N)
    edge_attr = jax.random.normal(ks[2], (E, ED), dtype=jnp.float32)
    s = 0.1
    W_gat = jax.random.normal(ks[3], (D, H * C), dtype=jnp.float32) * s
    att_src = jax.random.normal(ks[4], (H, C), dtype=jnp.float32) * s
    att_dst = jax.random.normal(ks[5], (H, C), dtype=jnp.float32) * s
    W_edge = jax.random.normal(ks[6], (ED, H * C), dtype=jnp.float32) * s
    att_edge = jax.random.normal(ks[7], (H, C), dtype=jnp.float32) * s
    bias = jnp.zeros((H * C,), dtype=jnp.float32)
    gamma = jnp.ones((H * C,), dtype=jnp.float32)
    beta = jnp.zeros((H * C,), dtype=jnp.float32)
    return {
        "x": x, "edge_index": edge_index, "edge_attr": edge_attr,
        "W_gat": W_gat, "att_src": att_src, "att_dst": att_dst,
        "W_edge": W_edge, "att_edge": att_edge, "bias": bias,
        "gamma": gamma, "beta": beta,
    }


def reference(x, edge_index, edge_attr, W_gat, att_src, att_dst, W_edge, att_edge, bias, gamma, beta):
    src = edge_index[0]
    dst = edge_index[1]
    # GAT linear projection
    xp = (x @ W_gat).reshape(N, H, C)
    # per-node attention logit components
    a_src = jnp.sum(xp * att_src[None], axis=-1)  # [N, H]
    a_dst = jnp.sum(xp * att_dst[None], axis=-1)  # [N, H]
    # edge feature contribution
    ee = (edge_attr @ W_edge).reshape(E, H, C)
    a_e = jnp.sum(ee * att_edge[None], axis=-1)   # [E, H]
    # attention logits per edge (gather)
    alpha = jax.nn.leaky_relu(a_src[src] + a_dst[dst] + a_e, 0.2)  # [E, H]
    # segment softmax over incoming edges of each dst node
    m = jax.ops.segment_max(alpha, dst, num_segments=N)
    m = jnp.where(jnp.isfinite(m), m, 0.0)
    ea = jnp.exp(alpha - m[dst])
    ssum = jax.ops.segment_sum(ea, dst, num_segments=N)
    w = ea / (ssum[dst] + 1e-16)                 # [E, H]
    # message = attended source features; scatter-add to dst
    msg = xp[src] * w[:, :, None]                # [E, H, C]
    out = jax.ops.segment_sum(msg, dst, num_segments=N).reshape(N, H * C) + bias
    # residual (identity since in_channels == out_channels*heads)
    out = out + x
    # LayerNorm
    mu = jnp.mean(out, axis=-1, keepdims=True)
    var = jnp.var(out, axis=-1, keepdims=True)
    out = (out - mu) / jnp.sqrt(var + 1e-5) * gamma + beta
    # ELU (dropout is identity in eval mode)
    out = jax.nn.elu(out)
    return out

if __name__ == "__main__":
    import jax
    _d = setup_inputs()
    print(jax.jit(kernel)(*tuple(_d.values())))

</pallas_src>

<mosaic_0001>
#map = affine_map<(d0, d1) -> (0, 0)>
#map1 = affine_map<(d0, d1) -> (0)>
module attributes {stable_mosaic.version = 14 : i64} {
  func.func @_sc_edge(%arg0: i32, %arg1: i32, %arg2: memref<10240x128xf32, #tpu.memory_space<hbm>>, %arg3: memref<10240x16xf32, #tpu.memory_space<hbm>>, %arg4: memref<10240x16xf32, #tpu.memory_space<hbm>>, %arg5: memref<40448x128xf32, #tpu.memory_space<hbm>>, %arg6: memref<323584xi32, #tpu.memory_space<hbm>>, %arg7: memref<323584xi32, #tpu.memory_space<hbm>>, %arg8: memref<20480x128xf32, #tpu.memory_space<hbm>>, %arg9: memref<20480x16xf32, #tpu.memory_space<hbm>>, %arg10: memref<128xi32, #tpu.memory_space<vmem>>, %arg11: memref<128xi32, #tpu.memory_space<vmem>>, %arg12: memref<16x128xf32, #tpu.memory_space<vmem>>, %arg13: memref<128x16xf32, #tpu.memory_space<vmem>>, %arg14: memref<128x16xf32, #tpu.memory_space<vmem>>, %arg15: memref<128x16xf32, #tpu.memory_space<vmem>>, %arg16: memref<128x128xf32, #tpu.memory_space<vmem>>, %arg17: memref<10240x128xf32, #tpu.memory_space<vmem_shared>>, %arg18: memref<10240x16xf32, #tpu.memory_space<vmem_shared>>, %arg19: memref<!tpu.dma_semaphore, #tpu.memory_space<semaphore_mem>>, %arg20: memref<!tpu.dma_semaphore, #tpu.memory_space<semaphore_mem>>, %arg21: memref<!tpu.dma_semaphore, #tpu.memory_space<semaphore_mem>>) attributes {dimension_semantics = [#tpu.dimension_semantics<core_parallel>, #tpu.dimension_semantics<subcore_parallel>], iteration_bounds = array<i64: 2, 16>, scalar_prefetch = 0 : i64, scratch_operands = 12 : i64, tpu.core_type = #tpu.core_type<sc_vector_subcore>, window_params = [{transform_indices = #map}, {transform_indices = #map}, {transform_indices = #map}, {transform_indices = #map}, {transform_indices = #map1}, {transform_indices = #map1}, {transform_indices = #map}, {transform_indices = #map}]} {
    %mul3A = arith.constant 2 : i32
    %mul3A_0 = arith.muli %arg1, %mul3A : i32
    %add3A = arith.addi %mul3A_0, %arg0 : i32
    %mul3A_1 = arith.constant 640 : i32
    %mul3A_2 = arith.muli %arg1, %mul3A_1 : i32
    %broadcast_in_dim3A = arith.constant 0.000000e+00 : f32
    %broadcast_in_dim3A_3 = vector.broadcast %broadcast_in_dim3A : f32 to vector<16xf32>
    %scan3A = arith.constant 0 : i32
    %scan3A_4 = arith.constant 0 : i32
    %scan3A_5 = arith.constant 128 : i32
    %scan3A_6 = arith.addi %scan3A_4, %scan3A_5 : i32
    %scan3A_7 = arith.constant 1 : i32
    %scan3A_8 = scf.for %scan3A_44 = %scan3A_4 to %scan3A_6 step %scan3A_7 iter_args(%scan3A_45 = %scan3A) -> (i32)  : i32 {
      %swap3A = arith.index_cast %scan3A_44 : i32 to index
      %swap3A_46 = arith.constant 0 : index
      %swap3A_47 = tpu.vector_load %arg16[%swap3A, %swap3A_46] {strides = array<i32>} : memref<128x128xf32, #tpu.memory_space<vmem>>, vector<1x16xf32>,
      %swap3A_48 = vector.shape_cast %swap3A_47 : vector<1x16xf32> to vector<16xf32>
      %swap3A_49 = vector.shape_cast %broadcast_in_dim3A_3 : vector<16xf32> to vector<1x16xf32>
      tpu.vector_store %arg16[%swap3A, %swap3A_46], %swap3A_49 {strides = array<i32>} : memref<128x128xf32, #tpu.memory_space<vmem>>, vector<1x16xf32>,
      %swap3A_50 = arith.index_cast %scan3A_44 : i32 to index
      %swap3A_51 = arith.constant 16 : index
      %swap3A_52 = tpu.vector_load %arg16[%swap3A_50, %swap3A_51] {strides = array<i32>} : memref<128x128xf32, #tpu.memory_space<vmem>>, vector<1x16xf32>,
      %swap3A_53 = vector.shape_cast %swap3A_52 : vector<1x16xf32> to vector<16xf32>
      %swap3A_54 = vector.shape_cast %broadcast_in_dim3A_3 : vector<16xf32> to vector<1x16xf32>
      tpu.vector_store %arg16[%swap3A_50, %swap3A_51], %swap3A_54 {strides = array<i32>} : memref<128x128xf32, #tpu.memory_space<vmem>>, vector<1x16xf32>,
      %swap3A_55 = arith.index_cast %scan3A_44 : i32 to index
      %swap3A_56 = arith.constant 32 : index
      %swap3A_57 = tpu.vector_load %arg16[%swap3A_55, %swap3A_56] {strides = array<i32>} : memref<128x128xf32, #tpu.memory_space<vmem>>, vector<1x16xf32>,
      %swap3A_58 = vector.shape_cast %swap3A_57 : vector<1x16xf32> to vector<16xf32>
      %swap3A_59 = vector.shape_cast %broadcast_in_dim3A_3 : vector<16xf32> to vector<1x16xf32>
      tpu.vector_store %arg16[%swap3A_55, %swap3A_56], %swap3A_59 {strides = array<i32>} : memref<128x128xf32, #tpu.memory_space<vmem>>, vector<1x16xf32>,
      %swap3A_60 = arith.index_cast %scan3A_44 : i32 to index
      %swap3A_61 = arith.constant 48 : index
      %swap3A_62 = tpu.vector_load %arg16[%swap3A_60, %swap3A_61] {strides = array<i32>} : memref<128x128xf32, #tpu.memory_space<vmem>>, vector<1x16xf32>,
      %swap3A_63 = vector.shape_cast %swap3A_62 : vector<1x16xf32> to vector<16xf32>
      %swap3A_64 = vector.shape_cast %broadcast_in_dim3A_3 : vector<16xf32> to vector<1x16xf32>
      tpu.vector_store %arg16[%swap3A_60, %swap3A_61], %swap3A_64 {strides = array<i32>} : memref<128x128xf32, #tpu.memory_space<vmem>>, vector<1x16xf32>,
      %swap3A_65 = arith.index_cast %scan3A_44 : i32 to index
      %swap3A_66 = arith.constant 64 : index
      %swap3A_67 = tpu.vector_load %arg16[%swap3A_65, %swap3A_66] {strides = array<i32>} : memref<128x128xf32, #tpu.memory_space<vmem>>, vector<1x16xf32>,
      %swap3A_68 = vector.shape_cast %swap3A_67 : vector<1x16xf32> to vector<16xf32>
      %swap3A_69 = vector.shape_cast %broadcast_in_dim3A_3 : vector<16xf32> to vector<1x16xf32>
      tpu.vector_store %arg16[%swap3A_65, %swap3A_66], %swap3A_69 {strides = array<i32>} : memref<128x128xf32, #tpu.memory_space<vmem>>, vector<1x16xf32>,
      %swap3A_70 = arith.index_cast %scan3A_44 : i32 to index
      %swap3A_71 = arith.constant 80 : index
      %swap3A_72 = tpu.vector_load %arg16[%swap3A_70, %swap3A_71] {strides = array<i32>} : memref<128x128xf32, #tpu.memory_space<vmem>>, vector<1x16xf32>,
      %swap3A_73 = vector.shape_cast %swap3A_72 : vector<1x16xf32> to vector<16xf32>
      %swap3A_74 = vector.shape_cast %broadcast_in_dim3A_3 : vector<16xf32> to vector<1x16xf32>
      tpu.vector_store %arg16[%swap3A_70, %swap3A_71], %swap3A_74 {strides = array<i32>} : memref<128x128xf32, #tpu.memory_space<vmem>>, vector<1x16xf32>,
      %swap3A_75 = arith.index_cast %scan3A_44 : i32 to index
      %swap3A_76 = arith.constant 96 : index
      %swap3A_77 = tpu.vector_load %arg16[%swap3A_75, %swap3A_76] {strides = array<i32>} : memref<128x128xf32, #tpu.memory_space<vmem>>, vector<1x16xf32>,
      %swap3A_78 = vector.shape_cast %swap3A_77 : vector<1x16xf32> to vector<16xf32>
      %swap3A_79 = vector.shape_cast %broadcast_in_dim3A_3 : vector<16xf32> to vector<1x16xf32>
      tpu.vector_store %arg16[%swap3A_75, %swap3A_76], %swap3A_79 {strides = array<i32>} : memref<128x128xf32, #tpu.memory_space<vmem>>, vector<1x16xf32>,
      %swap3A_80 = arith.index_cast %scan3A_44 : i32 to index
      %swap3A_81 = arith.constant 112 : index
      %swap3A_82 = tpu.vector_load %arg16[%swap3A_80, %swap3A_81] {strides = array<i32>} : memref<128x128xf32, #tpu.memory_space<vmem>>, vector<1x16xf32>,
      %swap3A_83 = vector.shape_cast %swap3A_82 : vector<1x16xf32> to vector<16xf32>
      %swap3A_84 = vector.shape_cast %broadcast_in_dim3A_3 : vector<16xf32> to vector<1x16xf32>
      tpu.vector_store %arg16[%swap3A_80, %swap3A_81], %swap3A_84 {strides = array<i32>} : memref<128x128xf32, #tpu.memory_space<vmem>>, vector<1x16xf32>,
      %swap3A_85 = arith.index_cast %scan3A_44 : i32 to index
      %swap3A_86 = arith.constant 0 : index
      %swap3A_87 = tpu.vector_load %arg13[%swap3A_85, %swap3A_86] {strides = array<i32>} : memref<128x16xf32, #tpu.memory_space<vmem>>, vector<1x16xf32>,
      %swap3A_88 = vector.shape_cast %swap3A_87 : vector<1x16xf32> to vector<16xf32>
      %swap3A_89 = vector.shape_cast %broadcast_in_dim3A_3 : vector<16xf32> to vector<1x16xf32>
      tpu.vector_store %arg13[%swap3A_85, %swap3A_86], %swap3A_89 {strides = array<i32>} : memref<128x16xf32, #tpu.memory_space<vmem>>, vector<1x16xf32>,
      %scan3A_90 = arith.constant 0 : i32
      scf.yield %scan3A_90 : i32
    }
    %scan3A_9 = arith.constant 128 : i32
    %add3A_10 = arith.constant 0 : i32
    %add3A_11 = arith.addi %mul3A_2, %add3A_10 : i32
    "tpu.region"() ({
      %run_scoped3A = tpu.sem_alloc : memref<!tpu.dma_semaphore, #tpu.memory_space<semaphore_mem>>
      %dma_start3A = arith.constant 0 : i32
      %dma_start3A_44 = tpu.memref_slice %arg17[%add3A_11, %dma_start3A] : memref<10240x128xf32, #tpu.memory_space<vmem_shared>> -> memref<128x128xf32, #tpu.memory_space<vmem_shared>>
      %dma_start3A_45 = arith.constant 0 : i32
      %dma_start3A_46 = tpu.memref_slice %arg17[%add3A_11, %dma_start3A_45] : memref<10240x128xf32, #tpu.memory_space<vmem_shared>> -> memref<128x128xf32, #tpu.memory_space<vmem_shared>>
      tpu.enqueue_dma source(%arg16 : memref<128x128xf32, #tpu.memory_space<vmem>>) target(%dma_start3A_46 : memref<128x128xf32, #tpu.memory_space<vmem_shared>>) target_semaphore(%run_scoped3A : memref<!tpu.dma_semaphore, #tpu.memory_space<semaphore_mem>>)
      %dma_wait3A = arith.constant 0 : i32
      %dma_wait3A_47 = tpu.memref_slice %arg17[%add3A_11, %dma_wait3A] : memref<10240x128xf32, #tpu.memory_space<vmem_shared>> -> memref<128x128xf32, #tpu.memory_space<vmem_shared>>
      %dma_wait3A_48 = arith.constant 0 : i32
      %dma_wait3A_49 = tpu.memref_slice %arg17[%add3A_11, %dma_wait3A_48] : memref<10240x128xf32, #tpu.memory_space<vmem_shared>> -> memref<128x128xf32, #tpu.memory_space<vmem_shared>>
      tpu.wait_dma2 semaphore(%run_scoped3A : memref<!tpu.dma_semaphore, #tpu.memory_space<semaphore_mem>>) src(%arg16 : memref<128x128xf32, #tpu.memory_space<vmem>>) dst(%dma_wait3A_49 : memref<128x128xf32, #tpu.memory_space<vmem_shared>>)
      tpu.yield
    }) : () -> ()
    %add3A_12 = arith.constant 0 : i32
    %add3A_13 = arith.addi %mul3A_2, %add3A_12 : i32
    "tpu.region"() ({
      %run_scoped3A = tpu.sem_alloc : memref<!tpu.dma_semaphore, #tpu.memory_space<semaphore_mem>>
      %dma_start3A = arith.constant 0 : i32
      %dma_start3A_44 = tpu.memref_slice %arg18[%add3A_13, %dma_start3A] : memref<10240x16xf32, #tpu.memory_space<vmem_shared>> -> memref<128x16xf32, #tpu.memory_space<vmem_shared>>
      %dma_start3A_45 = arith.constant 0 : i32
      %dma_start3A_46 = tpu.memref_slice %arg18[%add3A_13, %dma_start3A_45] : memref<10240x16xf32, #tpu.memory_space<vmem_shared>> -> memref<128x16xf32, #tpu.memory_space<vmem_shared>>
      tpu.enqueue_dma source(%arg13 : memref<128x16xf32, #tpu.memory_space<vmem>>) target(%dma_start3A_46 : memref<128x16xf32, #tpu.memory_space<vmem_shared>>) target_semaphore(%run_scoped3A : memref<!tpu.dma_semaphore, #tpu.memory_space<semaphore_mem>>)
      %dma_wait3A = arith.constant 0 : i32
      %dma_wait3A_47 = tpu.memref_slice %arg18[%add3A_13, %dma_wait3A] : memref<10240x16xf32, #tpu.memory_space<vmem_shared>> -> memref<128x16xf32, #tpu.memory_space<vmem_shared>>
      %dma_wait3A_48 = arith.constant 0 : i32
      %dma_wait3A_49 = tpu.memref_slice %arg18[%add3A_13, %dma_wait3A_48] : memref<10240x16xf32, #tpu.memory_space<vmem_shared>> -> memref<128x16xf32, #tpu.memory_space<vmem_shared>>
      tpu.wait_dma2 semaphore(%run_scoped3A : memref<!tpu.dma_semaphore, #tpu.memory_space<semaphore_mem>>) src(%arg13 : memref<128x16xf32, #tpu.memory_space<vmem>>) dst(%dma_wait3A_49 : memref<128x16xf32, #tpu.memory_space<vmem_shared>>)
      tpu.yield
    }) : () -> ()
    %add3A_14 = arith.constant 128 : i32
    %add3A_15 = arith.addi %mul3A_2, %add3A_14 : i32
    "tpu.region"() ({
      %run_scoped3A = tpu.sem_alloc : memref<!tpu.dma_semaphore, #tpu.memory_space<semaphore_mem>>
      %dma_start3A = arith.constant 0 : i32
      %dma_start3A_44 = tpu.memref_slice %arg17[%add3A_15, %dma_start3A] : memref<10240x128xf32, #tpu.memory_space<vmem_shared>> -> memref<128x128xf32, #tpu.memory_space<vmem_shared>>
      %dma_start3A_45 = arith.constant 0 : i32
      %dma_start3A_46 = tpu.memref_slice %arg17[%add3A_15, %dma_start3A_45] : memref<10240x128xf32, #tpu.memory_space<vmem_shared>> -> memref<128x128xf32, #tpu.memory_space<vmem_shared>>
      tpu.enqueue_dma source(%arg16 : memref<128x128xf32, #tpu.memory_space<vmem>>) target(%dma_start3A_46 : memref<128x128xf32, #tpu.memory_space<vmem_shared>>) target_semaphore(%run_scoped3A : memref<!tpu.dma_semaphore, #tpu.memory_space<semaphore_mem>>)
      %dma_wait3A = arith.constant 0 : i32
      %dma_wait3A_47 = tpu.memref_slice %arg17[%add3A_15, %dma_wait3A] : memref<10240x128xf32, #tpu.memory_space<vmem_shared>> -> memref<128x128xf32, #tpu.memory_space<vmem_shared>>
      %dma_wait3A_48 = arith.constant 0 : i32
      %dma_wait3A_49 = tpu.memref_slice %arg17[%add3A_15, %dma_wait3A_48] : memref<10240x128xf32, #tpu.memory_space<vmem_shared>> -> memref<128x128xf32, #tpu.memory_space<vmem_shared>>
      tpu.wait_dma2 semaphore(%run_scoped3A : memref<!tpu.dma_semaphore, #tpu.memory_space<semaphore_mem>>) src(%arg16 : memref<128x128xf32, #tpu.memory_space<vmem>>) dst(%dma_wait3A_49 : memref<128x128xf32, #tpu.memory_space<vmem_shared>>)
      tpu.yield
    }) : () -> ()
    %add3A_16 = arith.constant 128 : i32
    %add3A_17 = arith.addi %mul3A_2, %add3A_16 : i32
    "tpu.region"() ({
      %run_scoped3A = tpu.sem_alloc : memref<!tpu.dma_semaphore, #tpu.memory_space<semaphore_mem>>
      %dma_start3A = arith.constant 0 : i32
      %dma_start3A_44 = tpu.memref_slice %arg18[%add3A_17, %dma_start3A] : memref<10240x16xf32, #tpu.memory_space<vmem_shared>> -> memref<128x16xf32, #tpu.memory_space<vmem_shared>>
      %dma_start3A_45 = arith.constant 0 : i32
      %dma_start3A_46 = tpu.memref_slice %arg18[%add3A_17, %dma_start3A_45] : memref<10240x16xf32, #tpu.memory_space<vmem_shared>> -> memref<128x16xf32, #tpu.memory_space<vmem_shared>>
      tpu.enqueue_dma source(%arg13 : memref<128x16xf32, #tpu.memory_space<vmem>>) target(%dma_start3A_46 : memref<128x16xf32, #tpu.memory_space<vmem_shared>>) target_semaphore(%run_scoped3A : memref<!tpu.dma_semaphore, #tpu.memory_space<semaphore_mem>>)
      %dma_wait3A = arith.constant 0 : i32
      %dma_wait3A_47 = tpu.memref_slice %arg18[%add3A_17, %dma_wait3A] : memref<10240x16xf32, #tpu.memory_space<vmem_shared>> -> memref<128x16xf32, #tpu.memory_space<vmem_shared>>
      %dma_wait3A_48 = arith.constant 0 : i32
      %dma_wait3A_49 = tpu.memref_slice %arg18[%add3A_17, %dma_wait3A_48] : memref<10240x16xf32, #tpu.memory_space<vmem_shared>> -> memref<128x16xf32, #tpu.memory_space<vmem_shared>>
      tpu.wait_dma2 semaphore(%run_scoped3A : memref<!tpu.dma_semaphore, #tpu.memory_space<semaphore_mem>>) src(%arg13 : memref<128x16xf32, #tpu.memory_space<vmem>>) dst(%dma_wait3A_49 : memref<128x16xf32, #tpu.memory_space<vmem_shared>>)
      tpu.yield
    }) : () -> ()
    %add3A_18 = arith.constant 256 : i32
    %add3A_19 = arith.addi %mul3A_2, %add3A_18 : i32
    "tpu.region"() ({
      %run_scoped3A = tpu.sem_alloc : memref<!tpu.dma_semaphore, #tpu.memory_space<semaphore_mem>>
      %dma_start3A = arith.constant 0 : i32
      %dma_start3A_44 = tpu.memref_slice %arg17[%add3A_19, %dma_start3A] : memref<10240x128xf32, #tpu.memory_space<vmem_shared>> -> memref<128x128xf32, #tpu.memory_space<vmem_shared>>
      %dma_start3A_45 = arith.constant 0 : i32
      %dma_start3A_46 = tpu.memref_slice %arg17[%add3A_19, %dma_start3A_45] : memref<10240x128xf32, #tpu.memory_space<vmem_shared>> -> memref<128x128xf32, #tpu.memory_space<vmem_shared>>
      tpu.enqueue_dma source(%arg16 : memref<128x128xf32, #tpu.memory_space<vmem>>) target(%dma_start3A_46 : memref<128x128xf32, #tpu.memory_space<vmem_shared>>) target_semaphore(%run_scoped3A : memref<!tpu.dma_semaphore, #tpu.memory_space<semaphore_mem>>)
      %dma_wait3A = arith.constant 0 : i32
      %dma_wait3A_47 = tpu.memref_slice %arg17[%add3A_19, %dma_wait3A] : memref<10240x128xf32, #tpu.memory_space<vmem_shared>> -> memref<128x128xf32, #tpu.memory_space<vmem_shared>>
      %dma_wait3A_48 = arith.constant 0 : i32
      %dma_wait3A_49 = tpu.memref_slice %arg17[%add3A_19, %dma_wait3A_48] : memref<10240x128xf32, #tpu.memory_space<vmem_shared>> -> memref<128x128xf32, #tpu.memory_space<vmem_shared>>
      tpu.wait_dma2 semaphore(%run_scoped3A : memref<!tpu.dma_semaphore, #tpu.memory_space<semaphore_mem>>) src(%arg16 : memref<128x128xf32, #tpu.memory_space<vmem>>) dst(%dma_wait3A_49 : memref<128x128xf32, #tpu.memory_space<vmem_shared>>)
      tpu.yield
    }) : () -> ()
    %add3A_20 = arith.constant 256 : i32
    %add3A_21 = arith.addi %mul3A_2, %add3A_20 : i32
    "tpu.region"() ({
      %run_scoped3A = tpu.sem_alloc : memref<!tpu.dma_semaphore, #tpu.memory_space<semaphore_mem>>
      %dma_start3A = arith.constant 0 : i32
      %dma_start3A_44 = tpu.memref_slice %arg18[%add3A_21, %dma_start3A] : memref<10240x16xf32, #tpu.memory_space<vmem_shared>> -> memref<128x16xf32, #tpu.memory_space<vmem_shared>>
      %dma_start3A_45 = arith.constant 0 : i32
      %dma_start3A_46 = tpu.memref_slice %arg18[%add3A_21, %dma_start3A_45] : memref<10240x16xf32, #tpu.memory_space<vmem_shared>> -> memref<128x16xf32, #tpu.memory_space<vmem_shared>>
      tpu.enqueue_dma source(%arg13 : memref<128x16xf32, #tpu.memory_space<vmem>>) target(%dma_start3A_46 : memref<128x16xf32, #tpu.memory_space<vmem_shared>>) target_semaphore(%run_scoped3A : memref<!tpu.dma_semaphore, #tpu.memory_space<semaphore_mem>>)
      %dma_wait3A = arith.constant 0 : i32
      %dma_wait3A_47 = tpu.memref_slice %arg18[%add3A_21, %dma_wait3A] : memref<10240x16xf32, #tpu.memory_space<vmem_shared>> -> memref<128x16xf32, #tpu.memory_space<vmem_shared>>
      %dma_wait3A_48 = arith.constant 0 : i32
      %dma_wait3A_49 = tpu.memref_slice %arg18[%add3A_21, %dma_wait3A_48] : memref<10240x16xf32, #tpu.memory_space<vmem_shared>> -> memref<128x16xf32, #tpu.memory_space<vmem_shared>>
      tpu.wait_dma2 semaphore(%run_scoped3A : memref<!tpu.dma_semaphore, #tpu.memory_space<semaphore_mem>>) src(%arg13 : memref<128x16xf32, #tpu.memory_space<vmem>>) dst(%dma_wait3A_49 : memref<128x16xf32, #tpu.memory_space<vmem_shared>>)
      tpu.yield
    }) : () -> ()
    %add3A_22 = arith.constant 384 : i32
    %add3A_23 = arith.addi %mul3A_2, %add3A_22 : i32
    "tpu.region"() ({
      %run_scoped3A = tpu.sem_alloc : memref<!tpu.dma_semaphore, #tpu.memory_space<semaphore_mem>>
      %dma_start3A = arith.constant 0 : i32
      %dma_start3A_44 = tpu.memref_slice %arg17[%add3A_23, %dma_start3A] : memref<10240x128xf32, #tpu.memory_space<vmem_shared>> -> memref<128x128xf32, #tpu.memory_space<vmem_shared>>
      %dma_start3A_45 = arith.constant 0 : i32
      %dma_start3A_46 = tpu.memref_slice %arg17[%add3A_23, %dma_start3A_45] : memref<10240x128xf32, #tpu.memory_space<vmem_shared>> -> memref<128x128xf32, #tpu.memory_space<vmem_shared>>
      tpu.enqueue_dma source(%arg16 : memref<128x128xf32, #tpu.memory_space<vmem>>) target(%dma_start3A_46 : memref<128x128xf32, #tpu.memory_space<vmem_shared>>) target_semaphore(%run_scoped3A : memref<!tpu.dma_semaphore, #tpu.memory_space<semaphore_mem>>)
      %dma_wait3A = arith.constant 0 : i32
      %dma_wait3A_47 = tpu.memref_slice %arg17[%add3A_23, %dma_wait3A] : memref<10240x128xf32, #tpu.memory_space<vmem_shared>> -> memref<128x128xf32, #tpu.memory_space<vmem_shared>>
      %dma_wait3A_48 = arith.constant 0 : i32
      %dma_wait3A_49 = tpu.memref_slice %arg17[%add3A_23, %dma_wait3A_48] : memref<10240x128xf32, #tpu.memory_space<vmem_shared>> -> memref<128x128xf32, #tpu.memory_space<vmem_shared>>
      tpu.wait_dma2 semaphore(%run_scoped3A : memref<!tpu.dma_semaphore, #tpu.memory_space<semaphore_mem>>) src(%arg16 : memref<128x128xf32, #tpu.memory_space<vmem>>) dst(%dma_wait3A_49 : memref<128x128xf32, #tpu.memory_space<vmem_shared>>)
      tpu.yield
    }) : () -> ()
    %add3A_24 = arith.constant 384 : i32
    %add3A_25 = arith.addi %mul3A_2, %add3A_24 : i32
    "tpu.region"() ({
      %run_scoped3A = tpu.sem_alloc : memref<!tpu.dma_semaphore, #tpu.memory_space<semaphore_mem>>
      %dma_start3A = arith.constant 0 : i32
      %dma_start3A_44 = tpu.memref_slice %arg18[%add3A_25, %dma_start3A] : memref<10240x16xf32, #tpu.memory_space<vmem_shared>> -> memref<128x16xf32, #tpu.memory_space<vmem_shared>>
      %dma_start3A_45 = arith.constant 0 : i32
      %dma_start3A_46 = tpu.memref_slice %arg18[%add3A_25, %dma_start3A_45] : memref<10240x16xf32, #tpu.memory_space<vmem_shared>> -> memref<128x16xf32, #tpu.memory_space<vmem_shared>>
      tpu.enqueue_dma source(%arg13 : memref<128x16xf32, #tpu.memory_space<vmem>>) target(%dma_start3A_46 : memref<128x16xf32, #tpu.memory_space<vmem_shared>>) target_semaphore(%run_scoped3A : memref<!tpu.dma_semaphore, #tpu.memory_space<semaphore_mem>>)
      %dma_wait3A = arith.constant 0 : i32
      %dma_wait3A_47 = tpu.memref_slice %arg18[%add3A_25, %dma_wait3A] : memref<10240x16xf32, #tpu.memory_space<vmem_shared>> -> memref<128x16xf32, #tpu.memory_space<vmem_shared>>
      %dma_wait3A_48 = arith.constant 0 : i32
      %dma_wait3A_49 = tpu.memref_slice %arg18[%add3A_25, %dma_wait3A_48] : memref<10240x16xf32, #tpu.memory_space<vmem_shared>> -> memref<128x16xf32, #tpu.memory_space<vmem_shared>>
      tpu.wait_dma2 semaphore(%run_scoped3A : memref<!tpu.dma_semaphore, #tpu.memory_space<semaphore_mem>>) src(%arg13 : memref<128x16xf32, #tpu.memory_space<vmem>>) dst(%dma_wait3A_49 : memref<128x16xf32, #tpu.memory_space<vmem_shared>>)
      tpu.yield
    }) : () -> ()
    %add3A_26 = arith.constant 512 : i32
    %add3A_27 = arith.addi %mul3A_2, %add3A_26 : i32
    "tpu.region"() ({
      %run_scoped3A = tpu.sem_alloc : memref<!tpu.dma_semaphore, #tpu.memory_space<semaphore_mem>>
      %dma_start3A = arith.constant 0 : i32
      %dma_start3A_44 = tpu.memref_slice %arg17[%add3A_27, %dma_start3A] : memref<10240x128xf32, #tpu.memory_space<vmem_shared>> -> memref<128x128xf32, #tpu.memory_space<vmem_shared>>
      %dma_start3A_45 = arith.constant 0 : i32
      %dma_start3A_46 = tpu.memref_slice %arg17[%add3A_27, %dma_start3A_45] : memref<10240x128xf32, #tpu.memory_space<vmem_shared>> -> memref<128x128xf32, #tpu.memory_space<vmem_shared>>
      tpu.enqueue_dma source(%arg16 : memref<128x128xf32, #tpu.memory_space<vmem>>) target(%dma_start3A_46 : memref<128x128xf32, #tpu.memory_space<vmem_shared>>) target_semaphore(%run_scoped3A : memref<!tpu.dma_semaphore, #tpu.memory_space<semaphore_mem>>)
      %dma_wait3A = arith.constant 0 : i32
      %dma_wait3A_47 = tpu.memref_slice %arg17[%add3A_27, %dma_wait3A] : memref<10240x128xf32, #tpu.memory_space<vmem_shared>> -> memref<128x128xf32, #tpu.memory_space<vmem_shared>>
      %dma_wait3A_48 = arith.constant 0 : i32
      %dma_wait3A_49 = tpu.memref_slice %arg17[%add3A_27, %dma_wait3A_48] : memref<10240x128xf32, #tpu.memory_space<vmem_shared>> -> memref<128x128xf32, #tpu.memory_space<vmem_shared>>
      tpu.wait_dma2 semaphore(%run_scoped3A : memref<!tpu.dma_semaphore, #tpu.memory_space<semaphore_mem>>) src(%arg16 : memref<128x128xf32, #tpu.memory_space<vmem>>) dst(%dma_wait3A_49 : memref<128x128xf32, #tpu.memory_space<vmem_shared>>)
      tpu.yield
    }) : () -> ()
    %add3A_28 = arith.constant 512 : i32
    %add3A_29 = arith.addi %mul3A_2, %add3A_28 : i32
    "tpu.region"() ({
      %run_scoped3A = tpu.sem_alloc : memref<!tpu.dma_semaphore, #tpu.memory_space<semaphore_mem>>
      %dma_start3A = arith.constant 0 : i32
      %dma_start3A_44 = tpu.memref_slice %arg18[%add3A_29, %dma_start3A] : memref<10240x16xf32, #tpu.memory_space<vmem_shared>> -> memref<128x16xf32, #tpu.memory_space<vmem_shared>>
      %dma_start3A_45 = arith.constant 0 : i32
      %dma_start3A_46 = tpu.memref_slice %arg18[%add3A_29, %dma_start3A_45] : memref<10240x16xf32, #tpu.memory_space<vmem_shared>> -> memref<128x16xf32, #tpu.memory_space<vmem_shared>>
      tpu.enqueue_dma source(%arg13 : memref<128x16xf32, #tpu.memory_space<vmem>>) target(%dma_start3A_46 : memref<128x16xf32, #tpu.memory_space<vmem_shared>>) target_semaphore(%run_scoped3A : memref<!tpu.dma_semaphore, #tpu.memory_space<semaphore_mem>>)
      %dma_wait3A = arith.constant 0 : i32
      %dma_wait3A_47 = tpu.memref_slice %arg18[%add3A_29, %dma_wait3A] : memref<10240x16xf32, #tpu.memory_space<vmem_shared>> -> memref<128x16xf32, #tpu.memory_space<vmem_shared>>
      %dma_wait3A_48 = arith.constant 0 : i32
      %dma_wait3A_49 = tpu.memref_slice %arg18[%add3A_29, %dma_wait3A_48] : memref<10240x16xf32, #tpu.memory_space<vmem_shared>> -> memref<128x16xf32, #tpu.memory_space<vmem_shared>>
      tpu.wait_dma2 semaphore(%run_scoped3A : memref<!tpu.dma_semaphore, #tpu.memory_space<semaphore_mem>>) src(%arg13 : memref<128x16xf32, #tpu.memory_space<vmem>>) dst(%dma_wait3A_49 : memref<128x16xf32, #tpu.memory_space<vmem_shared>>)
      tpu.yield
    }) : () -> ()
    %barrier3A = arith.constant 0 : index
    tpu.barrier barrier_id(%barrier3A)
    %scan3A_30 = arith.constant 0 : i32
    %scan3A_31 = arith.constant 0 : i32
    %scan3A_32 = arith.constant 79 : i32
    %scan3A_33 = arith.addi %scan3A_31, %scan3A_32 : i32
    %scan3A_34 = arith.constant 1 : i32
    %scan3A_35 = scf.for %scan3A_44 = %scan3A_31 to %scan3A_33 step %scan3A_34 iter_args(%scan3A_45 = %scan3A_30) -> (i32)  : i32 {
      %mul3A_46 = arith.constant 79 : i32
      %mul3A_47 = arith.muli %add3A, %mul3A_46 : i32
      %add3A_48 = arith.addi %mul3A_47, %scan3A_44 : i32
      %mul3A_49 = arith.constant 128 : i32
      %mul3A_50 = arith.muli %add3A_48, %mul3A_49 : i32
      "tpu.region"() ({
        %run_scoped3A = tpu.sem_alloc : memref<!tpu.dma_semaphore, #tpu.memory_space<semaphore_mem>>
        %dma_start3A_84 = tpu.memref_slice %arg6[%mul3A_50] : memref<323584xi32, #tpu.memory_space<hbm>> -> memref<128xi32, #tpu.memory_space<hbm>>
        %dma_start3A_85 = tpu.memref_slice %arg6[%mul3A_50] : memref<323584xi32, #tpu.memory_space<hbm>> -> memref<128xi32, #tpu.memory_space<hbm>>
        tpu.enqueue_dma source(%dma_start3A_85 : memref<128xi32, #tpu.memory_space<hbm>>) target(%arg10 : memref<128xi32, #tpu.memory_space<vmem>>) target_semaphore(%run_scoped3A : memref<!tpu.dma_semaphore, #tpu.memory_space<semaphore_mem>>)
        %dma_wait3A_86 = tpu.memref_slice %arg6[%mul3A_50] : memref<323584xi32, #tpu.memory_space<hbm>> -> memref<128xi32, #tpu.memory_space<hbm>>
        %dma_wait3A_87 = tpu.memref_slice %arg6[%mul3A_50] : memref<323584xi32, #tpu.memory_space<hbm>> -> memref<128xi32, #tpu.memory_space<hbm>>
        tpu.wait_dma2 semaphore(%run_scoped3A : memref<!tpu.dma_semaphore, #tpu.memory_space<semaphore_mem>>) src(%dma_wait3A_87 : memref<128xi32, #tpu.memory_space<hbm>>) dst(%arg10 : memref<128xi32, #tpu.memory_space<vmem>>)
        tpu.yield
      }) : () -> ()
      "tpu.region"() ({
        %run_scoped3A = tpu.sem_alloc : memref<!tpu.dma_semaphore, #tpu.memory_space<semaphore_mem>>
        %dma_start3A_84 = tpu.memref_slice %arg7[%mul3A_50] : memref<323584xi32, #tpu.memory_space<hbm>> -> memref<128xi32, #tpu.memory_space<hbm>>
        %dma_start3A_85 = tpu.memref_slice %arg7[%mul3A_50] : memref<323584xi32, #tpu.memory_space<hbm>> -> memref<128xi32, #tpu.memory_space<hbm>>
        tpu.enqueue_dma source(%dma_start3A_85 : memref<128xi32, #tpu.memory_space<hbm>>) target(%arg11 : memref<128xi32, #tpu.memory_space<vmem>>) target_semaphore(%run_scoped3A : memref<!tpu.dma_semaphore, #tpu.memory_space<semaphore_mem>>)
        %dma_wait3A_86 = tpu.memref_slice %arg7[%mul3A_50] : memref<323584xi32, #tpu.memory_space<hbm>> -> memref<128xi32, #tpu.memory_space<hbm>>
        %dma_wait3A_87 = tpu.memref_slice %arg7[%mul3A_50] : memref<323584xi32, #tpu.memory_space<hbm>> -> memref<128xi32, #tpu.memory_space<hbm>>
        tpu.wait_dma2 semaphore(%run_scoped3A : memref<!tpu.dma_semaphore, #tpu.memory_space<semaphore_mem>>) src(%dma_wait3A_87 : memref<128xi32, #tpu.memory_space<hbm>>) dst(%arg11 : memref<128xi32, #tpu.memory_space<vmem>>)
        tpu.yield
      }) : () -> ()
      %dma_start3A = arith.constant 0 : i32
      %dma_start3A_51 = arith.constant 0 : i32
      %dma_start3A_52 = tpu.memref_slice %arg3[%dma_start3A, %dma_start3A_51] : memref<10240x16xf32, #tpu.memory_space<hbm>> -> memref<10240x16xf32, #tpu.memory_space<hbm>>
      tpu.enqueue_indirect_dma source(%dma_start3A_52 : memref<10240x16xf32, #tpu.memory_space<hbm>>) target(%arg14 : memref<128x16xf32, #tpu.memory_space<vmem>>) offsets(%arg10 : memref<128xi32, #tpu.memory_space<vmem>>) semaphore(%arg19 : memref<!tpu.dma_semaphore, #tpu.memory_space<semaphore_mem>>)
      %dma_start3A_53 = arith.constant 0 : i32
      %dma_start3A_54 = arith.constant 0 : i32
      %dma_start3A_55 = tpu.memref_slice %arg4[%dma_start3A_53, %dma_start3A_54] : memref<10240x16xf32, #tpu.memory_space<hbm>> -> memref<10240x16xf32, #tpu.memory_space<hbm>>
      tpu.enqueue_indirect_dma source(%dma_start3A_55 : memref<10240x16xf32, #tpu.memory_space<hbm>>) target(%arg15 : memref<128x16xf32, #tpu.memory_space<vmem>>) offsets(%arg11 : memref<128xi32, #tpu.memory_space<vmem>>) semaphore(%arg20 : memref<!tpu.dma_semaphore, #tpu.memory_space<semaphore_mem>>)
      %dma_start3A_56 = arith.constant 0 : i32
      %dma_start3A_57 = arith.constant 0 : i32
      %dma_start3A_58 = tpu.memref_slice %arg2[%dma_start3A_56, %dma_start3A_57] : memref<10240x128xf32, #tpu.memory_space<hbm>> -> memref<10240x128xf32, #tpu.memory_space<hbm>>
      tpu.enqueue_indirect_dma source(%dma_start3A_58 : memref<10240x128xf32, #tpu.memory_space<hbm>>) target(%arg16 : memref<128x128xf32, #tpu.memory_space<vmem>>) offsets(%arg10 : memref<128xi32, #tpu.memory_space<vmem>>) semaphore(%arg21 : memref<!tpu.dma_semaphore, #tpu.memory_space<semaphore_mem>>)
      %mul3A_59 = arith.constant 16 : i32
      %mul3A_60 = arith.muli %add3A_48, %mul3A_59 : i32
      "tpu.region"() ({
        %run_scoped3A = tpu.sem_alloc : memref<!tpu.dma_semaphore, #tpu.memory_space<semaphore_mem>>
        %dma_start3A_84 = arith.constant 0 : i32
        %dma_start3A_85 = tpu.memref_slice %arg5[%mul3A_60, %dma_start3A_84] : memref<40448x128xf32, #tpu.memory_space<hbm>> -> memref<16x128xf32, #tpu.memory_space<hbm>>
        %dma_start3A_86 = arith.constant 0 : i32
        %dma_start3A_87 = tpu.memref_slice %arg5[%mul3A_60, %dma_start3A_86] : memref<40448x128xf32, #tpu.memory_space<hbm>> -> memref<16x128xf32, #tpu.memory_space<hbm>>
        tpu.enqueue_dma source(%dma_start3A_87 : memref<16x128xf32, #tpu.memory_space<hbm>>) target(%arg12 : memref<16x128xf32, #tpu.memory_space<vmem>>) target_semaphore(%run_scoped3A : memref<!tpu.dma_semaphore, #tpu.memory_space<semaphore_mem>>)
        %dma_wait3A_88 = arith.constant 0 : i32
        %dma_wait3A_89 = tpu.memref_slice %arg5[%mul3A_60, %dma_wait3A_88] : memref<40448x128xf32, #tpu.memory_space<hbm>> -> memref<16x128xf32, #tpu.memory_space<hbm>>
        %dma_wait3A_90 = arith.constant 0 : i32
        %dma_wait3A_91 = tpu.memref_slice %arg5[%mul3A_60, %dma_wait3A_90] : memref<40448x128xf32, #tpu.memory_space<hbm>> -> memref<16x128xf32, #tpu.memory_space<hbm>>
        tpu.wait_dma2 semaphore(%run_scoped3A : memref<!tpu.dma_semaphore, #tpu.memory_space<semaphore_mem>>) src(%dma_wait3A_91 : memref<16x128xf32, #tpu.memory_space<hbm>>) dst(%arg12 : memref<16x128xf32, #tpu.memory_space<vmem>>)
        tpu.yield
      }) : () -> ()
      %dma_wait3A = arith.constant 0 : i32
      %dma_wait3A_61 = arith.constant 0 : i32
      %dma_wait3A_62 = tpu.memref_slice %arg3[%dma_wait3A, %dma_wait3A_61] : memref<10240x16xf32, #tpu.memory_space<hbm>> -> memref<10240x16xf32, #tpu.memory_space<hbm>>
      tpu.wait_indirect_dma semaphore(%arg19 : memref<!tpu.dma_semaphore, #tpu.memory_space<semaphore_mem>>) src(%dma_wait3A_62 : memref<10240x16xf32, #tpu.memory_space<hbm>>) dst(%arg14 : memref<128x16xf32, #tpu.memory_space<vmem>>)
      %dma_wait3A_63 = arith.constant 0 : i32
      %dma_wait3A_64 = arith.constant 0 : i32
      %dma_wait3A_65 = tpu.memref_slice %arg4[%dma_wait3A_63, %dma_wait3A_64] : memref<10240x16xf32, #tpu.memory_space<hbm>> -> memref<10240x16xf32, #tpu.memory_space<hbm>>
      tpu.wait_indirect_dma semaphore(%arg20 : memref<!tpu.dma_semaphore, #tpu.memory_space<semaphore_mem>>) src(%dma_wait3A_65 : memref<10240x16xf32, #tpu.memory_space<hbm>>) dst(%arg15 : memref<128x16xf32, #tpu.memory_space<vmem>>)
      %scan3A_66 = arith.constant 0 : i32
      %scan3A_67 = arith.constant 0 : i32
      %scan3A_68 = arith.constant 16 : i32
      %scan3A_69 = arith.addi %scan3A_67, %scan3A_68 : i32
      %scan3A_70 = arith.constant 1 : i32
      %scan3A_71 = scf.for %scan3A_84 = %scan3A_67 to %scan3A_69 step %scan3A_70 iter_args(%scan3A_85 = %scan3A_66) -> (i32)  : i32 {
        %mul3A_86 = arith.constant 8 : i32
        %mul3A_87 = arith.muli %scan3A_84, %mul3A_86 : i32
        %add3A_88 = arith.constant 0 : i32
        %add3A_89 = arith.addi %mul3A_87, %add3A_88 : i32
        %get3A = arith.index_cast %add3A_89 : i32 to index
        %get3A_90 = arith.constant 0 : index
        %get3A_91 = tpu.vector_load %arg14[%get3A, %get3A_90] {strides = array<i32>} : memref<128x16xf32, #tpu.memory_space<vmem>>, vector<1x16xf32>,
        %get3A_92 = vector.shape_cast %get3A_91 : vector<1x16xf32> to vector<16xf32>
        %get3A_93 = arith.index_cast %add3A_89 : i32 to index
        %get3A_94 = arith.constant 0 : index
        %get3A_95 = tpu.vector_load %arg15[%get3A_93, %get3A_94] {strides = array<i32>} : memref<128x16xf32, #tpu.memory_space<vmem>>, vector<1x16xf32>,
        %get3A_96 = vector.shape_cast %get3A_95 : vector<1x16xf32> to vector<16xf32>
        %add3A_97 = arith.addf %get3A_92, %get3A_96 : vector<16xf32>
        %get3A_98 = arith.index_cast %scan3A_84 : i32 to index
        %get3A_99 = arith.constant 0 : index
        %get3A_100 = tpu.vector_load %arg12[%get3A_98, %get3A_99] {strides = array<i32>} : memref<16x128xf32, #tpu.memory_space<vmem>>, vector<1x16xf32>,
        %get3A_101 = vector.shape_cast %get3A_100 : vector<1x16xf32> to vector<16xf32>
        %add3A_102 = arith.addf %add3A_97, %get3A_101 : vector<16xf32>
        %mul3A_103 = arith.constant 2.000000e-01 : f32
        %mul3A_104 = vector.broadcast %mul3A_103 : f32 to vector<16xf32>
        %mul3A_105 = arith.mulf %mul3A_104, %add3A_102 : vector<16xf32>
        %max3A = arith.maximumf %add3A_102, %mul3A_105 : vector<16xf32>
        %exp3A = math.exp %max3A : vector<16xf32>
        %swap3A = arith.index_cast %add3A_89 : i32 to index
        %swap3A_106 = arith.constant 0 : index
        %swap3A_107 = tpu.vector_load %arg13[%swap3A, %swap3A_106] {strides = array<i32>} : memref<128x16xf32, #tpu.memory_space<vmem>>, vector<1x16xf32>,
        %swap3A_108 = vector.shape_cast %swap3A_107 : vector<1x16xf32> to vector<16xf32>
        %swap3A_109 = vector.shape_cast %exp3A : vector<16xf32> to vector<1x16xf32>
        tpu.vector_store %arg13[%swap3A, %swap3A_106], %swap3A_109 {strides = array<i32>} : memref<128x16xf32, #tpu.memory_space<vmem>>, vector<1x16xf32>,
        %mul3A_110 = arith.constant 8 : i32
        %mul3A_111 = arith.muli %scan3A_84, %mul3A_110 : i32
        %add3A_112 = arith.constant 1 : i32
        %add3A_113 = arith.addi %mul3A_111, %add3A_112 : i32
        %get3A_114 = arith.index_cast %add3A_113 : i32 to index
        %get3A_115 = arith.constant 0 : index
        %get3A_116 = tpu.vector_load %arg14[%get3A_114, %get3A_115] {strides = array<i32>} : memref<128x16xf32, #tpu.memory_space<vmem>>, vector<1x16xf32>,
        %get3A_117 = vector.shape_cast %get3A_116 : vector<1x16xf32> to vector<16xf32>
        %get3A_118 = arith.index_cast %add3A_113 : i32 to index
        %get3A_119 = arith.constant 0 : index
        %get3A_120 = tpu.vector_load %arg15[%get3A_118, %get3A_119] {strides = array<i32>} : memref<128x16xf32, #tpu.memory_space<vmem>>, vector<1x16xf32>,
        %get3A_121 = vector.shape_cast %get3A_120 : vector<1x16xf32> to vector<16xf32>
        %add3A_122 = arith.addf %get3A_117, %get3A_121 : vector<16xf32>
        %get3A_123 = arith.index_cast %scan3A_84 : i32 to index
        %get3A_124 = arith.constant 16 : index
        %get3A_125 = tpu.vector_load %arg12[%get3A_123, %get3A_124] {strides = array<i32>} : memref<16x128xf32, #tpu.memory_space<vmem>>, vector<1x16xf32>,
        %get3A_126 = vector.shape_cast %get3A_125 : vector<1x16xf32> to vector<16xf32>
        %add3A_127 = arith.addf %add3A_122, %get3A_126 : vector<16xf32>
        %mul3A_128 = arith.constant 2.000000e-01 : f32
        %mul3A_129 = vector.broadcast %mul3A_128 : f32 to vector<16xf32>
        %mul3A_130 = arith.mulf %mul3A_129, %add3A_127 : vector<16xf32>
        %max3A_131 = arith.maximumf %add3A_127, %mul3A_130 : vector<16xf32>
        %exp3A_132 = math.exp %max3A_131 : vector<16xf32>
        %swap3A_133 = arith.index_cast %add3A_113 : i32 to index
        %swap3A_134 = arith.constant 0 : index
        %swap3A_135 = tpu.vector_load %arg13[%swap3A_133, %swap3A_134] {strides = array<i32>} : memref<128x16xf32, #tpu.memory_space<vmem>>, vector<1x16xf32>,
        %swap3A_136 = vector.shape_cast %swap3A_135 : vector<1x16xf32> to vector<16xf32>
        %swap3A_137 = vector.shape_cast %exp3A_132 : vector<16xf32> to vector<1x16xf32>
        tpu.vector_store %arg13[%swap3A_133, %swap3A_134], %swap3A_137 {strides = array<i32>} : memref<128x16xf32, #tpu.memory_space<vmem>>, vector<1x16xf32>,
        %mul3A_138 = arith.constant 8 : i32
        %mul3A_139 = arith.muli %scan3A_84, %mul3A_138 : i32
        %add3A_140 = arith.constant 2 : i32
        %add3A_141 = arith.addi %mul3A_139, %add3A_140 : i32
        %get3A_142 = arith.index_cast %add3A_141 : i32 to index
        %get3A_143 = arith.constant 0 : index
        %get3A_144 = tpu.vector_load %arg14[%get3A_142, %get3A_143] {strides = array<i32>} : memref<128x16xf32, #tpu.memory_space<vmem>>, vector<1x16xf32>,
        %get3A_145 = vector.shape_cast %get3A_144 : vector<1x16xf32> to vector<16xf32>
        %get3A_146 = arith.index_cast %add3A_141 : i32 to index
        %get3A_147 = arith.constant 0 : index
        %get3A_148 = tpu.vector_load %arg15[%get3A_146, %get3A_147] {strides = array<i32>} : memref<128x16xf32, #tpu.memory_space<vmem>>, vector<1x16xf32>,
        %get3A_149 = vector.shape_cast %get3A_148 : vector<1x16xf32> to vector<16xf32>
        %add3A_150 = arith.addf %get3A_145, %get3A_149 : vector<16xf32>
        %get3A_151 = arith.index_cast %scan3A_84 : i32 to index
        %get3A_152 = arith.constant 32 : index
        %get3A_153 = tpu.vector_load %arg12[%get3A_151, %get3A_152] {strides = array<i32>} : memref<16x128xf32, #tpu.memory_space<vmem>>, vector<1x16xf32>,
        %get3A_154 = vector.shape_cast %get3A_153 : vector<1x16xf32> to vector<16xf32>
        %add3A_155 = arith.addf %add3A_150, %get3A_154 : vector<16xf32>
        %mul3A_156 = arith.constant 2.000000e-01 : f32
        %mul3A_157 = vector.broadcast %mul3A_156 : f32 to vector<16xf32>
        %mul3A_158 = arith.mulf %mul3A_157, %add3A_155 : vector<16xf32>
        %max3A_159 = arith.maximumf %add3A_155, %mul3A_158 : vector<16xf32>
        %exp3A_160 = math.exp %max3A_159 : vector<16xf32>
        %swap3A_161 = arith.index_cast %add3A_141 : i32 to index
        %swap3A_162 = arith.constant 0 : index
        %swap3A_163 = tpu.vector_load %arg13[%swap3A_161, %swap3A_162] {strides = array<i32>} : memref<128x16xf32, #tpu.memory_space<vmem>>, vector<1x16xf32>,
        %swap3A_164 = vector.shape_cast %swap3A_163 : vector<1x16xf32> to vector<16xf32>
        %swap3A_165 = vector.shape_cast %exp3A_160 : vector<16xf32> to vector<1x16xf32>
        tpu.vector_store %arg13[%swap3A_161, %swap3A_162], %swap3A_165 {strides = array<i32>} : memref<128x16xf32, #tpu.memory_space<vmem>>, vector<1x16xf32>,
        %mul3A_166 = arith.constant 8 : i32
        %mul3A_167 = arith.muli %scan3A_84, %mul3A_166 : i32
        %add3A_168 = arith.constant 3 : i32
        %add3A_169 = arith.addi %mul3A_167, %add3A_168 : i32
        %get3A_170 = arith.index_cast %add3A_169 : i32 to index
        %get3A_171 = arith.constant 0 : index
        %get3A_172 = tpu.vector_load %arg14[%get3A_170, %get3A_171] {strides = array<i32>} : memref<128x16xf32, #tpu.memory_space<vmem>>, vector<1x16xf32>,
        %get3A_173 = vector.shape_cast %get3A_172 : vector<1x16xf32> to vector<16xf32>
        %get3A_174 = arith.index_cast %add3A_169 : i32 to index
        %get3A_175 = arith.constant 0 : index
        %get3A_176 = tpu.vector_load %arg15[%get3A_174, %get3A_175] {strides = array<i32>} : memref<128x16xf32, #tpu.memory_space<vmem>>, vector<1x16xf32>,
        %get3A_177 = vector.shape_cast %get3A_176 : vector<1x16xf32> to vector<16xf32>
        %add3A_178 = arith.addf %get3A_173, %get3A_177 : vector<16xf32>
        %get3A_179 = arith.index_cast %scan3A_84 : i32 to index
        %get3A_180 = arith.constant 48 : index
        %get3A_181 = tpu.vector_load %arg12[%get3A_179, %get3A_180] {strides = array<i32>} : memref<16x128xf32, #tpu.memory_space<vmem>>, vector<1x16xf32>,
        %get3A_182 = vector.shape_cast %get3A_181 : vector<1x16xf32> to vector<16xf32>
        %add3A_183 = arith.addf %add3A_178, %get3A_182 : vector<16xf32>
        %mul3A_184 = arith.constant 2.000000e-01 : f32
        %mul3A_185 = vector.broadcast %mul3A_184 : f32 to vector<16xf32>
        %mul3A_186 = arith.mulf %mul3A_185, %add3A_183 : vector<16xf32>
        %max3A_187 = arith.maximumf %add3A_183, %mul3A_186 : vector<16xf32>
        %exp3A_188 = math.exp %max3A_187 : vector<16xf32>
        %swap3A_189 = arith.index_cast %add3A_169 : i32 to index
        %swap3A_190 = arith.constant 0 : index
        %swap3A_191 = tpu.vector_load %arg13[%swap3A_189, %swap3A_190] {strides = array<i32>} : memref<128x16xf32, #tpu.memory_space<vmem>>, vector<1x16xf32>,
        %swap3A_192 = vector.shape_cast %swap3A_191 : vector<1x16xf32> to vector<16xf32>
        %swap3A_193 = vector.shape_cast %exp3A_188 : vector<16xf32> to vector<1x16xf32>
        tpu.vector_store %arg13[%swap3A_189, %swap3A_190], %swap3A_193 {strides = array<i32>} : memref<128x16xf32, #tpu.memory_space<vmem>>, vector<1x16xf32>,
        %mul3A_194 = arith.constant 8 : i32
        %mul3A_195 = arith.muli %scan3A_84, %mul3A_194 : i32
        %add3A_196 = arith.constant 4 : i32
        %add3A_197 = arith.addi %mul3A_195, %add3A_196 : i32
        %get3A_198 = arith.index_cast %add3A_197 : i32 to index
        %get3A_199 = arith.constant 0 : index
        %get3A_200 = tpu.vector_load %arg14[%get3A_198, %get3A_199] {strides = array<i32>} : memref<128x16xf32, #tpu.memory_space<vmem>>, vector<1x16xf32>,
        %get3A_201 = vector.shape_cast %get3A_200 : vector<1x16xf32> to vector<16xf32>
        %get3A_202 = arith.index_cast %add3A_197 : i32 to index
        %get3A_203 = arith.constant 0 : index
        %get3A_204 = tpu.vector_load %arg15[%get3A_202, %get3A_203] {strides = array<i32>} : memref<128x16xf32, #tpu.memory_space<vmem>>, vector<1x16xf32>,
        %get3A_205 = vector.shape_cast %get3A_204 : vector<1x16xf32> to vector<16xf32>
        %add3A_206 = arith.addf %get3A_201, %get3A_205 : vector<16xf32>
        %get3A_207 = arith.index_cast %scan3A_84 : i32 to index
        %get3A_208 = arith.constant 64 : index
        %get3A_209 = tpu.vector_load %arg12[%get3A_207, %get3A_208] {strides = array<i32>} : memref<16x128xf32, #tpu.memory_space<vmem>>, vector<1x16xf32>,
        %get3A_210 = vector.shape_cast %get3A_209 : vector<1x16xf32> to vector<16xf32>
        %add3A_211 = arith.addf %add3A_206, %get3A_210 : vector<16xf32>
        %mul3A_212 = arith.constant 2.000000e-01 : f32
        %mul3A_213 = vector.broadcast %mul3A_212 : f32 to vector<16xf32>
        %mul3A_214 = arith.mulf %mul3A_213, %add3A_211 : vector<16xf32>
        %max3A_215 = arith.maximumf %add3A_211, %mul3A_214 : vector<16xf32>
        %exp3A_216 = math.exp %max3A_215 : vector<16xf32>
        %swap3A_217 = arith.index_cast %add3A_197 : i32 to index
        %swap3A_218 = arith.constant 0 : index
        %swap3A_219 = tpu.vector_load %arg13[%swap3A_217, %swap3A_218] {strides = array<i32>} : memref<128x16xf32, #tpu.memory_space<vmem>>, vector<1x16xf32>,
        %swap3A_220 = vector.shape_cast %swap3A_219 : vector<1x16xf32> to vector<16xf32>
        %swap3A_221 = vector.shape_cast %exp3A_216 : vector<16xf32> to vector<1x16xf32>
        tpu.vector_store %arg13[%swap3A_217, %swap3A_218], %swap3A_221 {strides = array<i32>} : memref<128x16xf32, #tpu.memory_space<vmem>>, vector<1x16xf32>,
        %mul3A_222 = arith.constant 8 : i32
        %mul3A_223 = arith.muli %scan3A_84, %mul3A_222 : i32
        %add3A_224 = arith.constant 5 : i32
        %add3A_225 = arith.addi %mul3A_223, %add3A_224 : i32
        %get3A_226 = arith.index_cast %add3A_225 : i32 to index
        %get3A_227 = arith.constant 0 : index
        %get3A_228 = tpu.vector_load %arg14[%get3A_226, %get3A_227] {strides = array<i32>} : memref<128x16xf32, #tpu.memory_space<vmem>>, vector<1x16xf32>,
        %get3A_229 = vector.shape_cast %get3A_228 : vector<1x16xf32> to vector<16xf32>
        %get3A_230 = arith.index_cast %add3A_225 : i32 to index
        %get3A_231 = arith.constant 0 : index
        %get3A_232 = tpu.vector_load %arg15[%get3A_230, %get3A_231] {strides = array<i32>} : memref<128x16xf32, #tpu.memory_space<vmem>>, vector<1x16xf32>,
        %get3A_233 = vector.shape_cast %get3A_232 : vector<1x16xf32> to vector<16xf32>
        %add3A_234 = arith.addf %get3A_229, %get3A_233 : vector<16xf32>
        %get3A_235 = arith.index_cast %scan3A_84 : i32 to index
        %get3A_236 = arith.constant 80 : index
        %get3A_237 = tpu.vector_load %arg12[%get3A_235, %get3A_236] {strides = array<i32>} : memref<16x128xf32, #tpu.memory_space<vmem>>, vector<1x16xf32>,
        %get3A_238 = vector.shape_cast %get3A_237 : vector<1x16xf32> to vector<16xf32>
        %add3A_239 = arith.addf %add3A_234, %get3A_238 : vector<16xf32>
        %mul3A_240 = arith.constant 2.000000e-01 : f32
        %mul3A_241 = vector.broadcast %mul3A_240 : f32 to vector<16xf32>
        %mul3A_242 = arith.mulf %mul3A_241, %add3A_239 : vector<16xf32>
        %max3A_243 = arith.maximumf %add3A_239, %mul3A_242 : vector<16xf32>
        %exp3A_244 = math.exp %max3A_243 : vector<16xf32>
        %swap3A_245 = arith.index_cast %add3A_225 : i32 to index
        %swap3A_246 = arith.constant 0 : index
        %swap3A_247 = tpu.vector_load %arg13[%swap3A_245, %swap3A_246] {strides = array<i32>} : memref<128x16xf32, #tpu.memory_space<vmem>>, vector<1x16xf32>,
        %swap3A_248 = vector.shape_cast %swap3A_247 : vector<1x16xf32> to vector<16xf32>
        %swap3A_249 = vector.shape_cast %exp3A_244 : vector<16xf32> to vector<1x16xf32>
        tpu.vector_store %arg13[%swap3A_245, %swap3A_246], %swap3A_249 {strides = array<i32>} : memref<128x16xf32, #tpu.memory_space<vmem>>, vector<1x16xf32>,
        %mul3A_250 = arith.constant 8 : i32
        %mul3A_251 = arith.muli %scan3A_84, %mul3A_250 : i32
        %add3A_252 = arith.constant 6 : i32
        %add3A_253 = arith.addi %mul3A_251, %add3A_252 : i32
        %get3A_254 = arith.index_cast %add3A_253 : i32 to index
        %get3A_255 = arith.constant 0 : index
        %get3A_256 = tpu.vector_load %arg14[%get3A_254, %get3A_255] {strides = array<i32>} : memref<128x16xf32, #tpu.memory_space<vmem>>, vector<1x16xf32>,
        %get3A_257 = vector.shape_cast %get3A_256 : vector<1x16xf32> to vector<16xf32>
        %get3A_258 = arith.index_cast %add3A_253 : i32 to index
        %get3A_259 = arith.constant 0 : index
        %get3A_260 = tpu.vector_load %arg15[%get3A_258, %get3A_259] {strides = array<i32>} : memref<128x16xf32, #tpu.memory_space<vmem>>, vector<1x16xf32>,
        %get3A_261 = vector.shape_cast %get3A_260 : vector<1x16xf32> to vector<16xf32>
        %add3A_262 = arith.addf %get3A_257, %get3A_261 : vector<16xf32>
        %get3A_263 = arith.index_cast %scan3A_84 : i32 to index
        %get3A_264 = arith.constant 96 : index
        %get3A_265 = tpu.vector_load %arg12[%get3A_263, %get3A_264] {strides = array<i32>} : memref<16x128xf32, #tpu.memory_space<vmem>>, vector<1x16xf32>,
        %get3A_266 = vector.shape_cast %get3A_265 : vector<1x16xf32> to vector<16xf32>
        %add3A_267 = arith.addf %add3A_262, %get3A_266 : vector<16xf32>
        %mul3A_268 = arith.constant 2.000000e-01 : f32
        %mul3A_269 = vector.broadcast %mul3A_268 : f32 to vector<16xf32>
        %mul3A_270 = arith.mulf %mul3A_269, %add3A_267 : vector<16xf32>
        %max3A_271 = arith.maximumf %add3A_267, %mul3A_270 : vector<16xf32>
        %exp3A_272 = math.exp %max3A_271 : vector<16xf32>
        %swap3A_273 = arith.index_cast %add3A_253 : i32 to index
        %swap3A_274 = arith.constant 0 : index
        %swap3A_275 = tpu.vector_load %arg13[%swap3A_273, %swap3A_274] {strides = array<i32>} : memref<128x16xf32, #tpu.memory_space<vmem>>, vector<1x16xf32>,
        %swap3A_276 = vector.shape_cast %swap3A_275 : vector<1x16xf32> to vector<16xf32>
        %swap3A_277 = vector.shape_cast %exp3A_272 : vector<16xf32> to vector<1x16xf32>
        tpu.vector_store %arg13[%swap3A_273, %swap3A_274], %swap3A_277 {strides = array<i32>} : memref<128x16xf32, #tpu.memory_space<vmem>>, vector<1x16xf32>,
        %mul3A_278 = arith.constant 8 : i32
        %mul3A_279 = arith.muli %scan3A_84, %mul3A_278 : i32
        %add3A_280 = arith.constant 7 : i32
        %add3A_281 = arith.addi %mul3A_279, %add3A_280 : i32
        %get3A_282 = arith.index_cast %add3A_281 : i32 to index
        %get3A_283 = arith.constant 0 : index
        %get3A_284 = tpu.vector_load %arg14[%get3A_282, %get3A_283] {strides = array<i32>} : memref<128x16xf32, #tpu.memory_space<vmem>>, vector<1x16xf32>,
        %get3A_285 = vector.shape_cast %get3A_284 : vector<1x16xf32> to vector<16xf32>
        %get3A_286 = arith.index_cast %add3A_281 : i32 to index
        %get3A_287 = arith.constant 0 : index
        %get3A_288 = tpu.vector_load %arg15[%get3A_286, %get3A_287] {strides = array<i32>} : memref<128x16xf32, #tpu.memory_space<vmem>>, vector<1x16xf32>,
        %get3A_289 = vector.shape_cast %get3A_288 : vector<1x16xf32> to vector<16xf32>
        %add3A_290 = arith.addf %get3A_285, %get3A_289 : vector<16xf32>
        %get3A_291 = arith.index_cast %scan3A_84 : i32 to index
        %get3A_292 = arith.constant 112 : index
        %get3A_293 = tpu.vector_load %arg12[%get3A_291, %get3A_292] {strides = array<i32>} : memref<16x128xf32, #tpu.memory_space<vmem>>, vector<1x16xf32>,
        %get3A_294 = vector.shape_cast %get3A_293 : vector<1x16xf32> to vector<16xf32>
        %add3A_295 = arith.addf %add3A_290, %get3A_294 : vector<16xf32>
        %mul3A_296 = arith.constant 2.000000e-01 : f32
        %mul3A_297 = vector.broadcast %mul3A_296 : f32 to vector<16xf32>
        %mul3A_298 = arith.mulf %mul3A_297, %add3A_295 : vector<16xf32>
        %max3A_299 = arith.maximumf %add3A_295, %mul3A_298 : vector<16xf32>
        %exp3A_300 = math.exp %max3A_299 : vector<16xf32>
        %swap3A_301 = arith.index_cast %add3A_281 : i32 to index
        %swap3A_302 = arith.constant 0 : index
        %swap3A_303 = tpu.vector_load %arg13[%swap3A_301, %swap3A_302] {strides = array<i32>} : memref<128x16xf32, #tpu.memory_space<vmem>>, vector<1x16xf32>,
        %swap3A_304 = vector.shape_cast %swap3A_303 : vector<1x16xf32> to vector<16xf32>
        %swap3A_305 = vector.shape_cast %exp3A_300 : vector<16xf32> to vector<1x16xf32>
        tpu.vector_store %arg13[%swap3A_301, %swap3A_302], %swap3A_305 {strides = array<i32>} : memref<128x16xf32, #tpu.memory_space<vmem>>, vector<1x16xf32>,
        %scan3A_306 = arith.constant 0 : i32
        scf.yield %scan3A_306 : i32
      }
      %scan3A_72 = arith.constant 16 : i32
      %dma_wait3A_73 = arith.constant 0 : i32
      %dma_wait3A_74 = arith.constant 0 : i32
      %dma_wait3A_75 = tpu.memref_slice %arg2[%dma_wait3A_73, %dma_wait3A_74] : memref<10240x128xf32, #tpu.memory_space<hbm>> -> memref<10240x128xf32, #tpu.memory_space<hbm>>
      tpu.wait_indirect_dma semaphore(%arg21 : memref<!tpu.dma_semaphore, #tpu.memory_space<semaphore_mem>>) src(%dma_wait3A_75 : memref<10240x128xf32, #tpu.memory_space<hbm>>) dst(%arg16 : memref<128x128xf32, #tpu.memory_space<vmem>>)
      %scan3A_76 = arith.constant 0 : i32
      %scan3A_77 = arith.constant 0 : i32
      %scan3A_78 = arith.constant 128 : i32
      %scan3A_79 = arith.addi %scan3A_77, %scan3A_78 : i32
      %scan3A_80 = arith.constant 1 : i32
      %scan3A_81 = scf.for %scan3A_84 = %scan3A_77 to %scan3A_79 step %scan3A_80 iter_args(%scan3A_85 = %scan3A_76) -> (i32)  : i32 {
        %get3A = arith.index_cast %scan3A_84 : i32 to index
        %get3A_86 = arith.constant 0 : index
        %get3A_87 = tpu.vector_load %arg13[%get3A, %get3A_86] {strides = array<i32>} : memref<128x16xf32, #tpu.memory_space<vmem>>, vector<1x16xf32>,
        %get3A_88 = vector.shape_cast %get3A_87 : vector<1x16xf32> to vector<16xf32>
        %broadcast_in_dim3A_89 = arith.constant 0 : i32
        %broadcast_in_dim3A_90 = vector.broadcast %broadcast_in_dim3A_89 : i32 to vector<16x1xi32>
        %gather3A = vector.shape_cast %broadcast_in_dim3A_90 : vector<16x1xi32> to vector<16xi32>
        %gather3A_91 = tpu.dynamic_gather %get3A_88[%gather3A] in [0] : vector<16xf32>, vector<16xi32> -> vector<16xf32>
        %get3A_92 = arith.index_cast %scan3A_84 : i32 to index
        %get3A_93 = arith.constant 0 : index
        %get3A_94 = tpu.vector_load %arg16[%get3A_92, %get3A_93] {strides = array<i32>} : memref<128x128xf32, #tpu.memory_space<vmem>>, vector<1x16xf32>,
        %get3A_95 = vector.shape_cast %get3A_94 : vector<1x16xf32> to vector<16xf32>
        %mul3A_96 = arith.mulf %get3A_95, %gather3A_91 : vector<16xf32>
        %swap3A = arith.index_cast %scan3A_84 : i32 to index
        %swap3A_97 = arith.constant 0 : index
        %swap3A_98 = tpu.vector_load %arg16[%swap3A, %swap3A_97] {strides = array<i32>} : memref<128x128xf32, #tpu.memory_space<vmem>>, vector<1x16xf32>,
        %swap3A_99 = vector.shape_cast %swap3A_98 : vector<1x16xf32> to vector<16xf32>
        %swap3A_100 = vector.shape_cast %mul3A_96 : vector<16xf32> to vector<1x16xf32>
        tpu.vector_store %arg16[%swap3A, %swap3A_97], %swap3A_100 {strides = array<i32>} : memref<128x128xf32, #tpu.memory_space<vmem>>, vector<1x16xf32>,
        %broadcast_in_dim3A_101 = arith.constant 1 : i32
        %broadcast_in_dim3A_102 = vector.broadcast %broadcast_in_dim3A_101 : i32 to vector<16x1xi32>
        %gather3A_103 = vector.shape_cast %broadcast_in_dim3A_102 : vector<16x1xi32> to vector<16xi32>
        %gather3A_104 = tpu.dynamic_gather %get3A_88[%gather3A_103] in [0] : vector<16xf32>, vector<16xi32> -> vector<16xf32>
        %get3A_105 = arith.index_cast %scan3A_84 : i32 to index
        %get3A_106 = arith.constant 16 : index
        %get3A_107 = tpu.vector_load %arg16[%get3A_105, %get3A_106] {strides = array<i32>} : memref<128x128xf32, #tpu.memory_space<vmem>>, vector<1x16xf32>,
        %get3A_108 = vector.shape_cast %get3A_107 : vector<1x16xf32> to vector<16xf32>
        %mul3A_109 = arith.mulf %get3A_108, %gather3A_104 : vector<16xf32>
        %swap3A_110 = arith.index_cast %scan3A_84 : i32 to index
        %swap3A_111 = arith.constant 16 : index
        %swap3A_112 = tpu.vector_load %arg16[%swap3A_110, %swap3A_111] {strides = array<i32>} : memref<128x128xf32, #tpu.memory_space<vmem>>, vector<1x16xf32>,
        %swap3A_113 = vector.shape_cast %swap3A_112 : vector<1x16xf32> to vector<16xf32>
        %swap3A_114 = vector.shape_cast %mul3A_109 : vector<16xf32> to vector<1x16xf32>
        tpu.vector_store %arg16[%swap3A_110, %swap3A_111], %swap3A_114 {strides = array<i32>} : memref<128x128xf32, #tpu.memory_space<vmem>>, vector<1x16xf32>,
        %broadcast_in_dim3A_115 = arith.constant 2 : i32
        %broadcast_in_dim3A_116 = vector.broadcast %broadcast_in_dim3A_115 : i32 to vector<16x1xi32>
        %gather3A_117 = vector.shape_cast %broadcast_in_dim3A_116 : vector<16x1xi32> to vector<16xi32>
        %gather3A_118 = tpu.dynamic_gather %get3A_88[%gather3A_117] in [0] : vector<16xf32>, vector<16xi32> -> vector<16xf32>
        %get3A_119 = arith.index_cast %scan3A_84 : i32 to index
        %get3A_120 = arith.constant 32 : index
        %get3A_121 = tpu.vector_load %arg16[%get3A_119, %get3A_120] {strides = array<i32>} : memref<128x128xf32, #tpu.memory_space<vmem>>, vector<1x16xf32>,
        %get3A_122 = vector.shape_cast %get3A_121 : vector<1x16xf32> to vector<16xf32>
        %mul3A_123 = arith.mulf %get3A_122, %gather3A_118 : vector<16xf32>
        %swap3A_124 = arith.index_cast %scan3A_84 : i32 to index
        %swap3A_125 = arith.constant 32 : index
        %swap3A_126 = tpu.vector_load %arg16[%swap3A_124, %swap3A_125] {strides = array<i32>} : memref<128x128xf32, #tpu.memory_space<vmem>>, vector<1x16xf32>,
        %swap3A_127 = vector.shape_cast %swap3A_126 : vector<1x16xf32> to vector<16xf32>
        %swap3A_128 = vector.shape_cast %mul3A_123 : vector<16xf32> to vector<1x16xf32>
        tpu.vector_store %arg16[%swap3A_124, %swap3A_125], %swap3A_128 {strides = array<i32>} : memref<128x128xf32, #tpu.memory_space<vmem>>, vector<1x16xf32>,
        %broadcast_in_dim3A_129 = arith.constant 3 : i32
        %broadcast_in_dim3A_130 = vector.broadcast %broadcast_in_dim3A_129 : i32 to vector<16x1xi32>
        %gather3A_131 = vector.shape_cast %broadcast_in_dim3A_130 : vector<16x1xi32> to vector<16xi32>
        %gather3A_132 = tpu.dynamic_gather %get3A_88[%gather3A_131] in [0] : vector<16xf32>, vector<16xi32> -> vector<16xf32>
        %get3A_133 = arith.index_cast %scan3A_84 : i32 to index
        %get3A_134 = arith.constant 48 : index
        %get3A_135 = tpu.vector_load %arg16[%get3A_133, %get3A_134] {strides = array<i32>} : memref<128x128xf32, #tpu.memory_space<vmem>>, vector<1x16xf32>,
        %get3A_136 = vector.shape_cast %get3A_135 : vector<1x16xf32> to vector<16xf32>
        %mul3A_137 = arith.mulf %get3A_136, %gather3A_132 : vector<16xf32>
        %swap3A_138 = arith.index_cast %scan3A_84 : i32 to index
        %swap3A_139 = arith.constant 48 : index
        %swap3A_140 = tpu.vector_load %arg16[%swap3A_138, %swap3A_139] {strides = array<i32>} : memref<128x128xf32, #tpu.memory_space<vmem>>, vector<1x16xf32>,
        %swap3A_141 = vector.shape_cast %swap3A_140 : vector<1x16xf32> to vector<16xf32>
        %swap3A_142 = vector.shape_cast %mul3A_137 : vector<16xf32> to vector<1x16xf32>
        tpu.vector_store %arg16[%swap3A_138, %swap3A_139], %swap3A_142 {strides = array<i32>} : memref<128x128xf32, #tpu.memory_space<vmem>>, vector<1x16xf32>,
        %broadcast_in_dim3A_143 = arith.constant 4 : i32
        %broadcast_in_dim3A_144 = vector.broadcast %broadcast_in_dim3A_143 : i32 to vector<16x1xi32>
        %gather3A_145 = vector.shape_cast %broadcast_in_dim3A_144 : vector<16x1xi32> to vector<16xi32>
        %gather3A_146 = tpu.dynamic_gather %get3A_88[%gather3A_145] in [0] : vector<16xf32>, vector<16xi32> -> vector<16xf32>
        %get3A_147 = arith.index_cast %scan3A_84 : i32 to index
        %get3A_148 = arith.constant 64 : index
        %get3A_149 = tpu.vector_load %arg16[%get3A_147, %get3A_148] {strides = array<i32>} : memref<128x128xf32, #tpu.memory_space<vmem>>, vector<1x16xf32>,
        %get3A_150 = vector.shape_cast %get3A_149 : vector<1x16xf32> to vector<16xf32>
        %mul3A_151 = arith.mulf %get3A_150, %gather3A_146 : vector<16xf32>
        %swap3A_152 = arith.index_cast %scan3A_84 : i32 to index
        %swap3A_153 = arith.constant 64 : index
        %swap3A_154 = tpu.vector_load %arg16[%swap3A_152, %swap3A_153] {strides = array<i32>} : memref<128x128xf32, #tpu.memory_space<vmem>>, vector<1x16xf32>,
        %swap3A_155 = vector.shape_cast %swap3A_154 : vector<1x16xf32> to vector<16xf32>
        %swap3A_156 = vector.shape_cast %mul3A_151 : vector<16xf32> to vector<1x16xf32>
        tpu.vector_store %arg16[%swap3A_152, %swap3A_153], %swap3A_156 {strides = array<i32>} : memref<128x128xf32, #tpu.memory_space<vmem>>, vector<1x16xf32>,
        %broadcast_in_dim3A_157 = arith.constant 5 : i32
        %broadcast_in_dim3A_158 = vector.broadcast %broadcast_in_dim3A_157 : i32 to vector<16x1xi32>
        %gather3A_159 = vector.shape_cast %broadcast_in_dim3A_158 : vector<16x1xi32> to vector<16xi32>
        %gather3A_160 = tpu.dynamic_gather %get3A_88[%gather3A_159] in [0] : vector<16xf32>, vector<16xi32> -> vector<16xf32>
        %get3A_161 = arith.index_cast %scan3A_84 : i32 to index
        %get3A_162 = arith.constant 80 : index
        %get3A_163 = tpu.vector_load %arg16[%get3A_161, %get3A_162] {strides = array<i32>} : memref<128x128xf32, #tpu.memory_space<vmem>>, vector<1x16xf32>,
        %get3A_164 = vector.shape_cast %get3A_163 : vector<1x16xf32> to vector<16xf32>
        %mul3A_165 = arith.mulf %get3A_164, %gather3A_160 : vector<16xf32>
        %swap3A_166 = arith.index_cast %scan3A_84 : i32 to index
        %swap3A_167 = arith.constant 80 : index
        %swap3A_168 = tpu.vector_load %arg16[%swap3A_166, %swap3A_167] {strides = array<i32>} : memref<128x128xf32, #tpu.memory_space<vmem>>, vector<1x16xf32>,
        %swap3A_169 = vector.shape_cast %swap3A_168 : vector<1x16xf32> to vector<16xf32>
        %swap3A_170 = vector.shape_cast %mul3A_165 : vector<16xf32> to vector<1x16xf32>
        tpu.vector_store %arg16[%swap3A_166, %swap3A_167], %swap3A_170 {strides = array<i32>} : memref<128x128xf32, #tpu.memory_space<vmem>>, vector<1x16xf32>,
        %broadcast_in_dim3A_171 = arith.constant 6 : i32
        %broadcast_in_dim3A_172 = vector.broadcast %broadcast_in_dim3A_171 : i32 to vector<16x1xi32>
        %gather3A_173 = vector.shape_cast %broadcast_in_dim3A_172 : vector<16x1xi32> to vector<16xi32>
        %gather3A_174 = tpu.dynamic_gather %get3A_88[%gather3A_173] in [0] : vector<16xf32>, vector<16xi32> -> vector<16xf32>
        %get3A_175 = arith.index_cast %scan3A_84 : i32 to index
        %get3A_176 = arith.constant 96 : index
        %get3A_177 = tpu.vector_load %arg16[%get3A_175, %get3A_176] {strides = array<i32>} : memref<128x128xf32, #tpu.memory_space<vmem>>, vector<1x16xf32>,
        %get3A_178 = vector.shape_cast %get3A_177 : vector<1x16xf32> to vector<16xf32>
        %mul3A_179 = arith.mulf %get3A_178, %gather3A_174 : vector<16xf32>
        %swap3A_180 = arith.index_cast %scan3A_84 : i32 to index
        %swap3A_181 = arith.constant 96 : index
        %swap3A_182 = tpu.vector_load %arg16[%swap3A_180, %swap3A_181] {strides = array<i32>} : memref<128x128xf32, #tpu.memory_space<vmem>>, vector<1x16xf32>,
        %swap3A_183 = vector.shape_cast %swap3A_182 : vector<1x16xf32> to vector<16xf32>
        %swap3A_184 = vector.shape_cast %mul3A_179 : vector<16xf32> to vector<1x16xf32>
        tpu.vector_store %arg16[%swap3A_180, %swap3A_181], %swap3A_184 {strides = array<i32>} : memref<128x128xf32, #tpu.memory_space<vmem>>, vector<1x16xf32>,
        %broadcast_in_dim3A_185 = arith.constant 7 : i32
        %broadcast_in_dim3A_186 = vector.broadcast %broadcast_in_dim3A_185 : i32 to vector<16x1xi32>
        %gather3A_187 = vector.shape_cast %broadcast_in_dim3A_186 : vector<16x1xi32> to vector<16xi32>
        %gather3A_188 = tpu.dynamic_gather %get3A_88[%gather3A_187] in [0] : vector<16xf32>, vector<16xi32> -> vector<16xf32>
        %get3A_189 = arith.index_cast %scan3A_84 : i32 to index
        %get3A_190 = arith.constant 112 : index
        %get3A_191 = tpu.vector_load %arg16[%get3A_189, %get3A_190] {strides = array<i32>} : memref<128x128xf32, #tpu.memory_space<vmem>>, vector<1x16xf32>,
        %get3A_192 = vector.shape_cast %get3A_191 : vector<1x16xf32> to vector<16xf32>
        %mul3A_193 = arith.mulf %get3A_192, %gather3A_188 : vector<16xf32>
        %swap3A_194 = arith.index_cast %scan3A_84 : i32 to index
        %swap3A_195 = arith.constant 112 : index
        %swap3A_196 = tpu.vector_load %arg16[%swap3A_194, %swap3A_195] {strides = array<i32>} : memref<128x128xf32, #tpu.memory_space<vmem>>, vector<1x16xf32>,
        %swap3A_197 = vector.shape_cast %swap3A_196 : vector<1x16xf32> to vector<16xf32>
        %swap3A_198 = vector.shape_cast %mul3A_193 : vector<16xf32> to vector<1x16xf32>
        tpu.vector_store %arg16[%swap3A_194, %swap3A_195], %swap3A_198 {strides = array<i32>} : memref<128x128xf32, #tpu.memory_space<vmem>>, vector<1x16xf32>,
        %scan3A_199 = arith.constant 0 : i32
        scf.yield %scan3A_199 : i32
      }
      %scan3A_82 = arith.constant 128 : i32
      "tpu.region"() ({
        %run_scoped3A = tpu.sem_alloc : memref<!tpu.dma_semaphore, #tpu.memory_space<semaphore_mem>>
        %dma_start3A_84 = arith.constant 0 : i32
        %dma_start3A_85 = arith.constant 0 : i32
        %dma_start3A_86 = tpu.memref_slice %arg17[%dma_start3A_84, %dma_start3A_85] : memref<10240x128xf32, #tpu.memory_space<vmem_shared>> -> memref<10240x128xf32, #tpu.memory_space<vmem_shared>>
        tpu.enqueue_indirect_dma source(%arg16 : memref<128x128xf32, #tpu.memory_space<vmem>>) target(%dma_start3A_86 : memref<10240x128xf32, #tpu.memory_space<vmem_shared>>) offsets(%arg11 : memref<128xi32, #tpu.memory_space<vmem>>) semaphore(%run_scoped3A : memref<!tpu.dma_semaphore, #tpu.memory_space<semaphore_mem>>) {add = true}
        %dma_wait3A_87 = arith.constant 0 : i32
        %dma_wait3A_88 = arith.constant 0 : i32
        %dma_wait3A_89 = tpu.memref_slice %arg17[%dma_wait3A_87, %dma_wait3A_88] : memref<10240x128xf32, #tpu.memory_space<vmem_shared>> -> memref<10240x128xf32, #tpu.memory_space<vmem_shared>>
        tpu.wait_indirect_dma semaphore(%run_scoped3A : memref<!tpu.dma_semaphore, #tpu.memory_space<semaphore_mem>>) src(%arg16 : memref<128x128xf32, #tpu.memory_space<vmem>>) dst(%dma_wait3A_89 : memref<10240x128xf32, #tpu.memory_space<vmem_shared>>)
        tpu.yield
      }) : () -> ()
      "tpu.region"() ({
        %run_scoped3A = tpu.sem_alloc : memref<!tpu.dma_semaphore, #tpu.memory_space<semaphore_mem>>
        %dma_start3A_84 = arith.constant 0 : i32
        %dma_start3A_85 = arith.constant 0 : i32
        %dma_start3A_86 = tpu.memref_slice %arg18[%dma_start3A_84, %dma_start3A_85] : memref<10240x16xf32, #tpu.memory_space<vmem_shared>> -> memref<10240x16xf32, #tpu.memory_space<vmem_shared>>
        tpu.enqueue_indirect_dma source(%arg13 : memref<128x16xf32, #tpu.memory_space<vmem>>) target(%dma_start3A_86 : memref<10240x16xf32, #tpu.memory_space<vmem_shared>>) offsets(%arg11 : memref<128xi32, #tpu.memory_space<vmem>>) semaphore(%run_scoped3A : memref<!tpu.dma_semaphore, #tpu.memory_space<semaphore_mem>>) {add = true}
        %dma_wait3A_87 = arith.constant 0 : i32
        %dma_wait3A_88 = arith.constant 0 : i32
        %dma_wait3A_89 = tpu.memref_slice %arg18[%dma_wait3A_87, %dma_wait3A_88] : memref<10240x16xf32, #tpu.memory_space<vmem_shared>> -> memref<10240x16xf32, #tpu.memory_space<vmem_shared>>
        tpu.wait_indirect_dma semaphore(%run_scoped3A : memref<!tpu.dma_semaphore, #tpu.memory_space<semaphore_mem>>) src(%arg13 : memref<128x16xf32, #tpu.memory_space<vmem>>) dst(%dma_wait3A_89 : memref<10240x16xf32, #tpu.memory_space<vmem_shared>>)
        tpu.yield
      }) : () -> ()
      %scan3A_83 = arith.constant 0 : i32
      scf.yield %scan3A_83 : i32
    }
    %scan3A_36 = arith.constant 79 : i32
    %barrier3A_37 = arith.constant 0 : index
    tpu.barrier barrier_id(%barrier3A_37)
    %mul3A_38 = arith.constant 10240 : i32
    %mul3A_39 = arith.muli %arg0, %mul3A_38 : i32
    %add3A_40 = arith.addi %mul3A_39, %mul3A_2 : i32
    "tpu.region"() ({
      %run_scoped3A = tpu.sem_alloc : memref<!tpu.dma_semaphore, #tpu.memory_space<semaphore_mem>>
      %dma_start3A = arith.constant 0 : i32
      %dma_start3A_44 = tpu.memref_slice %arg8[%add3A_40, %dma_start3A] : memref<20480x128xf32, #tpu.memory_space<hbm>> -> memref<640x128xf32, #tpu.memory_space<hbm>>
      %dma_start3A_45 = arith.constant 0 : i32
      %dma_start3A_46 = tpu.memref_slice %arg17[%mul3A_2, %dma_start3A_45] : memref<10240x128xf32, #tpu.memory_space<vmem_shared>> -> memref<640x128xf32, #tpu.memory_space<vmem_shared>>
      tpu.enqueue_dma source(%dma_start3A_46 : memref<640x128xf32, #tpu.memory_space<vmem_shared>>) target(%dma_start3A_44 : memref<640x128xf32, #tpu.memory_space<hbm>>) target_semaphore(%run_scoped3A : memref<!tpu.dma_semaphore, #tpu.memory_space<semaphore_mem>>)
      %dma_wait3A = arith.constant 0 : i32
      %dma_wait3A_47 = tpu.memref_slice %arg8[%add3A_40, %dma_wait3A] : memref<20480x128xf32, #tpu.memory_space<hbm>> -> memref<640x128xf32, #tpu.memory_space<hbm>>
      %dma_wait3A_48 = arith.constant 0 : i32
      %dma_wait3A_49 = tpu.memref_slice %arg17[%mul3A_2, %dma_wait3A_48] : memref<10240x128xf32, #tpu.memory_space<vmem_shared>> -> memref<640x128xf32, #tpu.memory_space<vmem_shared>>
      tpu.wait_dma2 semaphore(%run_scoped3A : memref<!tpu.dma_semaphore, #tpu.memory_space<semaphore_mem>>) src(%dma_wait3A_49 : memref<640x128xf32, #tpu.memory_space<vmem_shared>>) dst(%dma_wait3A_47 : memref<640x128xf32, #tpu.memory_space<hbm>>)
      tpu.yield
    }) : () -> ()
    %mul3A_41 = arith.constant 10240 : i32
    %mul3A_42 = arith.muli %arg0, %mul3A_41 : i32
    %add3A_43 = arith.addi %mul3A_42, %mul3A_2 : i32
    "tpu.region"() ({
      %run_scoped3A = tpu.sem_alloc : memref<!tpu.dma_semaphore, #tpu.memory_space<semaphore_mem>>
      %dma_start3A = arith.constant 0 : i32
      %dma_start3A_44 = tpu.memref_slice %arg9[%add3A_43, %dma_start3A] : memref<20480x16xf32, #tpu.memory_space<hbm>> -> memref<640x16xf32, #tpu.memory_space<hbm>>
      %dma_start3A_45 = arith.constant 0 : i32
      %dma_start3A_46 = tpu.memref_slice %arg18[%mul3A_2, %dma_start3A_45] : memref<10240x16xf32, #tpu.memory_space<vmem_shared>> -> memref<640x16xf32, #tpu.memory_space<vmem_shared>>
      tpu.enqueue_dma source(%dma_start3A_46 : memref<640x16xf32, #tpu.memory_space<vmem_shared>>) target(%dma_start3A_44 : memref<640x16xf32, #tpu.memory_space<hbm>>) target_semaphore(%run_scoped3A : memref<!tpu.dma_semaphore, #tpu.memory_space<semaphore_mem>>)
      %dma_wait3A = arith.constant 0 : i32
      %dma_wait3A_47 = tpu.memref_slice %arg9[%add3A_43, %dma_wait3A] : memref<20480x16xf32, #tpu.memory_space<hbm>> -> memref<640x16xf32, #tpu.memory_space<hbm>>
      %dma_wait3A_48 = arith.constant 0 : i32
      %dma_wait3A_49 = tpu.memref_slice %arg18[%mul3A_2, %dma_wait3A_48] : memref<10240x16xf32, #tpu.memory_space<vmem_shared>> -> memref<640x16xf32, #tpu.memory_space<vmem_shared>>
      tpu.wait_dma2 semaphore(%run_scoped3A : memref<!tpu.dma_semaphore, #tpu.memory_space<semaphore_mem>>) src(%dma_wait3A_49 : memref<640x16xf32, #tpu.memory_space<vmem_shared>>) dst(%dma_wait3A_47 : memref<640x16xf32, #tpu.memory_space<hbm>>)
      tpu.yield
    }) : () -> ()
    return
  }
}

module attributes {stable_mosaic.version = 14 : i64} {
  func.func @_pre_body(%arg0: i32, %arg1: memref<640x128xf32, #tpu.memory_space<vmem>>, %arg2: memref<128x128xf32, #tpu.memory_space<vmem>>, %arg3: memref<1x128xf32, #tpu.memory_space<vmem>>, %arg4: memref<1x128xf32, #tpu.memory_space<vmem>>, %arg5: memref<640x128xf32, #tpu.memory_space<vmem>>, %arg6: memref<640x16xf32, #tpu.memory_space<vmem>>, %arg7: memref<640x16xf32, #tpu.memory_space<vmem>>) attributes {dimension_semantics = [#tpu.dimension_semantics<arbitrary>], iteration_bounds = array<i64: 16>, scalar_prefetch = 0 : i64, scratch_operands = 0 : i64, tpu.core_type = #tpu.core_type<tc>, window_params = [{transform_indices = @transform_0, window_bounds = array<i64: 640, 128>}, {pipeline_mode = #tpu.pipeline_mode<synchronous>, transform_indices = @transform_1, window_bounds = array<i64: 128, 128>}, {pipeline_mode = #tpu.pipeline_mode<synchronous>, transform_indices = @transform_2, window_bounds = array<i64: 1, 128>}, {pipeline_mode = #tpu.pipeline_mode<synchronous>, transform_indices = @transform_3, window_bounds = array<i64: 1, 128>}, {transform_indices = @transform_4, window_bounds = array<i64: 640, 128>}, {transform_indices = @transform_5, window_bounds = array<i64: 640, 16>}, {transform_indices = @transform_6, window_bounds = array<i64: 640, 16>}]} {
    %get3A = arith.constant 0 : index
    %get3A_0 = arith.constant 0 : index
    %get3A_1 = vector.load %arg1[%get3A, %get3A_0] : memref<640x128xf32, #tpu.memory_space<vmem>>, vector<640x128xf32>
    %get3A_2 = arith.constant 0 : index
    %get3A_3 = arith.constant 0 : index
    %get3A_4 = vector.load %arg2[%get3A_2, %get3A_3] : memref<128x128xf32, #tpu.memory_space<vmem>>, vector<128x128xf32>
    %dot_general3A = arith.constant dense<0.000000e+00> : vector<640x128xf32>
    %dot_general3A_5 = tpu.matmul %get3A_1, %get3A_4, %dot_general3A {dimension_numbers = #tpu.dot_dimension_numbers<[1], [0], [0], [1], [0, 0, 1, 1], [], []>, transpose_lhs_hint = false} : vector<640x128xf32>, vector<128x128xf32>, vector<640x128xf32> -> vector<640x128xf32>
    %swap3A = arith.constant 0 : index
    %swap3A_6 = arith.constant 0 : index
    %swap3A_7 = vector.load %arg5[%swap3A, %swap3A_6] : memref<640x128xf32, #tpu.memory_space<vmem>>, vector<640x128xf32>
    tpu.vector_store %arg5[%swap3A, %swap3A_6], %dot_general3A_5 {strides = array<i32>} : memref<640x128xf32, #tpu.memory_space<vmem>>, vector<640x128xf32>,
    %iota3A = tpu.iota {dimensions = array<i32: 0>} : vector<128x16xi32>
    %jit3A = arith.constant 16 : i32
    %div3A = vector.broadcast %jit3A : i32 to vector<128x16xi32>
    %div3A_8 = arith.divsi %iota3A, %div3A : vector<128x16xi32>
    %sign3A = arith.constant 0 : i32
    %sign3A_9 = vector.broadcast %sign3A : i32 to vector<128x16xi32>
    %sign3A_10 = arith.cmpi sgt, %iota3A, %sign3A_9 : vector<128x16xi32>
    %sign3A_11 = arith.extui %sign3A_10 : vector<128x16xi1> to vector<128x16xi32>
    %sign3A_12 = arith.constant 0 : i32
    %sign3A_13 = vector.broadcast %sign3A_12 : i32 to vector<128x16xi32>
    %sign3A_14 = arith.cmpi slt, %iota3A, %sign3A_13 : vector<128x16xi32>
    %sign3A_15 = arith.extui %sign3A_14 : vector<128x16xi1> to vector<128x16xi32>
    %sign3A_16 = arith.subi %sign3A_11, %sign3A_15 : vector<128x16xi32>
    %sign3A_17 = arith.constant 0 : i32
    %sign3A_18 = arith.cmpi sgt, %jit3A, %sign3A_17 : i32
    %sign3A_19 = arith.extui %sign3A_18 : i1 to i32
    %sign3A_20 = arith.constant 0 : i32
    %sign3A_21 = arith.cmpi slt, %jit3A, %sign3A_20 : i32
    %sign3A_22 = arith.extui %sign3A_21 : i1 to i32
    %sign3A_23 = arith.subi %sign3A_19, %sign3A_22 : i32
    %ne3A = vector.broadcast %sign3A_23 : i32 to vector<128x16xi32>
    %ne3A_24 = arith.cmpi ne, %sign3A_16, %ne3A : vector<128x16xi32>
    %rem3A = vector.broadcast %jit3A : i32 to vector<128x16xi32>
    %rem3A_25 = arith.remsi %iota3A, %rem3A : vector<128x16xi32>
    %ne3A_26 = arith.constant 0 : i32
    %ne3A_27 = vector.broadcast %ne3A_26 : i32 to vector<128x16xi32>
    %ne3A_28 = arith.cmpi ne, %rem3A_25, %ne3A_27 : vector<128x16xi32>
    %and3A = arith.andi %ne3A_24, %ne3A_28 : vector<128x16xi1>
    %sub3A = arith.constant 1 : i32
    %sub3A_29 = vector.broadcast %sub3A : i32 to vector<128x16xi32>
    %sub3A_30 = arith.subi %div3A_8, %sub3A_29 : vector<128x16xi32>
    %select_n3A = arith.select %and3A, %sub3A_30, %div3A_8 : vector<128x16xi1>, vector<128x16xi32>
    %iota3A_31 = tpu.iota {dimensions = array<i32: 1>} : vector<128x16xi32>
    %eq3A = arith.cmpi eq, %select_n3A, %iota3A_31 : vector<128x16xi32>
    %lt3A = arith.constant 8 : i32
    %lt3A_32 = vector.broadcast %lt3A : i32 to vector<128x16xi32>
    %lt3A_33 = arith.cmpi slt, %iota3A_31, %lt3A_32 : vector<128x16xi32>
    %and3A_34 = arith.andi %eq3A, %lt3A_33 : vector<128x16xi1>
    %convert_element_type3A = arith.extui %and3A_34 : vector<128x16xi1> to vector<128x16xi32>
    %convert_element_type3A_35 = arith.sitofp %convert_element_type3A : vector<128x16xi32> to vector<128x16xf32>
    %get3A_36 = arith.constant 0 : index
    %get3A_37 = arith.constant 0 : index
    %get3A_38 = vector.load %arg3[%get3A_36, %get3A_37] : memref<1x128xf32, #tpu.memory_space<vmem>>, vector<1x128xf32>
    %mul3A = vector.broadcast %get3A_38 : vector<1x128xf32> to vector<640x128xf32>
    %mul3A_39 = arith.mulf %dot_general3A_5, %mul3A : vector<640x128xf32>
    %dot_general3A_40 = arith.constant dense<0.000000e+00> : vector<640x16xf32>
    %dot_general3A_41 = tpu.matmul %mul3A_39, %convert_element_type3A_35, %dot_general3A_40 {dimension_numbers = #tpu.dot_dimension_numbers<[1], [0], [0], [1], [0, 0, 1, 1], [], []>, transpose_lhs_hint = false} : vector<640x128xf32>, vector<128x16xf32>, vector<640x16xf32> -> vector<640x16xf32>
    %swap3A_42 = arith.constant 0 : index
    %swap3A_43 = arith.constant 0 : index
    %swap3A_44 = vector.load %arg6[%swap3A_42, %swap3A_43] : memref<640x16xf32, #tpu.memory_space<vmem>>, vector<640x16xf32>
    tpu.vector_store %arg6[%swap3A_42, %swap3A_43], %dot_general3A_41 {strides = array<i32>} : memref<640x16xf32, #tpu.memory_space<vmem>>, vector<640x16xf32>,
    %get3A_45 = arith.constant 0 : index
    %get3A_46 = arith.constant 0 : index
    %get3A_47 = vector.load %arg4[%get3A_45, %get3A_46] : memref<1x128xf32, #tpu.memory_space<vmem>>, vector<1x128xf32>
    %mul3A_48 = vector.broadcast %get3A_47 : vector<1x128xf32> to vector<640x128xf32>
    %mul3A_49 = arith.mulf %dot_general3A_5, %mul3A_48 : vector<640x128xf32>
    %dot_general3A_50 = arith.constant dense<0.000000e+00> : vector<640x16xf32>
    %dot_general3A_51 = tpu.matmul %mul3A_49, %convert_element_type3A_35, %dot_general3A_50 {dimension_numbers = #tpu.dot_dimension_numbers<[1], [0], [0], [1], [0, 0, 1, 1], [], []>, transpose_lhs_hint = false} : vector<640x128xf32>, vector<128x16xf32>, vector<640x16xf32> -> vector<640x16xf32>
    %swap3A_52 = arith.constant 0 : index
    %swap3A_53 = arith.constant 0 : index
    %swap3A_54 = vector.load %arg7[%swap3A_52, %swap3A_53] : memref<640x16xf32, #tpu.memory_space<vmem>>, vector<640x16xf32>
    tpu.vector_store %arg7[%swap3A_52, %swap3A_53], %dot_general3A_51 {strides = array<i32>} : memref<640x16xf32, #tpu.memory_space<vmem>>, vector<640x16xf32>,
    return
  }
  func.func @transform_0(%arg0: i32) -> (i32, i32) {
    %c0_i32 = arith.constant 0 : i32
    %c0_i32_0 = arith.constant 0 : i32
    return %arg0, %c0_i32 : i32, i32
  }
  func.func @transform_1(%arg0: i32) -> (i32, i32) {
    %c0_i32 = arith.constant 0 : i32
    %c0_i32_0 = arith.constant 0 : i32
    %c0_i32_1 = arith.constant 0 : i32
    return %c0_i32, %c0_i32_0 : i32, i32
  }
  func.func @transform_2(%arg0: i32) -> (i32, i32) {
    %c0_i32 = arith.constant 0 : i32
    %c0_i32_0 = arith.constant 0 : i32
    %c0_i32_1 = arith.constant 0 : i32
    return %c0_i32, %c0_i32_0 : i32, i32
  }
  func.func @transform_3(%arg0: i32) -> (i32, i32) {
    %c0_i32 = arith.constant 0 : i32
    %c0_i32_0 = arith.constant 0 : i32
    %c0_i32_1 = arith.constant 0 : i32
    return %c0_i32, %c0_i32_0 : i32, i32
  }
  func.func @transform_4(%arg0: i32) -> (i32, i32) {
    %c0_i32 = arith.constant 0 : i32
    %c0_i32_0 = arith.constant 0 : i32
    return %arg0, %c0_i32 : i32, i32
  }
  func.func @transform_5(%arg0: i32) -> (i32, i32) {
    %c0_i32 = arith.constant 0 : i32
    %c0_i32_0 = arith.constant 0 : i32
    return %arg0, %c0_i32 : i32, i32
  }
  func.func @transform_6(%arg0: i32) -> (i32, i32) {
    %c0_i32 = arith.constant 0 : i32
    %c0_i32_0 = arith.constant 0 : i32
    return %arg0, %c0_i32 : i32, i32
  }
}

module attributes {stable_mosaic.version = 14 : i64} {
  func.func @_edge_body(%arg0: i32, %arg1: memref<1264x32xf32, #tpu.memory_space<vmem>>, %arg2: memref<4x128xf32, #tpu.memory_space<vmem>>, %arg3: memref<1x128xf32, #tpu.memory_space<vmem>>, %arg4: memref<1264x128xf32, #tpu.memory_space<vmem>>) attributes {dimension_semantics = [#tpu.dimension_semantics<arbitrary>], iteration_bounds = array<i64: 32>, scalar_prefetch = 0 : i64, scratch_operands = 0 : i64, tpu.core_type = #tpu.core_type<tc>, window_params = [{transform_indices = @transform_0, window_bounds = array<i64: 1264, 32>}, {pipeline_mode = #tpu.pipeline_mode<synchronous>, transform_indices = @transform_1, window_bounds = array<i64: 4, 128>}, {pipeline_mode = #tpu.pipeline_mode<synchronous>, transform_indices = @transform_2, window_bounds = array<i64: 1, 128>}, {transform_indices = @transform_3, window_bounds = array<i64: 1264, 128>}]} {
    %get3A = arith.constant 0 : index
    %get3A_0 = arith.constant 0 : index
    %get3A_1 = vector.load %arg2[%get3A, %get3A_0] : memref<4x128xf32, #tpu.memory_space<vmem>>, vector<4x128xf32>
    %get3A_2 = arith.constant 0 : index
    %get3A_3 = arith.constant 0 : index
    %get3A_4 = vector.load %arg3[%get3A_2, %get3A_3] : memref<1x128xf32, #tpu.memory_space<vmem>>, vector<1x128xf32>
    %mul3A = vector.broadcast %get3A_4 : vector<1x128xf32> to vector<4x128xf32>
    %mul3A_5 = arith.mulf %get3A_1, %mul3A : vector<4x128xf32>
    %iota3A = tpu.iota {dimensions = array<i32: 0>} : vector<128x16xi32>
    %jit3A = arith.constant 16 : i32
    %div3A = vector.broadcast %jit3A : i32 to vector<128x16xi32>
    %div3A_6 = arith.divsi %iota3A, %div3A : vector<128x16xi32>
    %sign3A = arith.constant 0 : i32
    %sign3A_7 = vector.broadcast %sign3A : i32 to vector<128x16xi32>
    %sign3A_8 = arith.cmpi sgt, %iota3A, %sign3A_7 : vector<128x16xi32>
    %sign3A_9 = arith.extui %sign3A_8 : vector<128x16xi1> to vector<128x16xi32>
    %sign3A_10 = arith.constant 0 : i32
    %sign3A_11 = vector.broadcast %sign3A_10 : i32 to vector<128x16xi32>
    %sign3A_12 = arith.cmpi slt, %iota3A, %sign3A_11 : vector<128x16xi32>
    %sign3A_13 = arith.extui %sign3A_12 : vector<128x16xi1> to vector<128x16xi32>
    %sign3A_14 = arith.subi %sign3A_9, %sign3A_13 : vector<128x16xi32>
    %sign3A_15 = arith.constant 0 : i32
    %sign3A_16 = arith.cmpi sgt, %jit3A, %sign3A_15 : i32
    %sign3A_17 = arith.extui %sign3A_16 : i1 to i32
    %sign3A_18 = arith.constant 0 : i32
    %sign3A_19 = arith.cmpi slt, %jit3A, %sign3A_18 : i32
    %sign3A_20 = arith.extui %sign3A_19 : i1 to i32
    %sign3A_21 = arith.subi %sign3A_17, %sign3A_20 : i32
    %ne3A = vector.broadcast %sign3A_21 : i32 to vector<128x16xi32>
    %ne3A_22 = arith.cmpi ne, %sign3A_14, %ne3A : vector<128x16xi32>
    %rem3A = vector.broadcast %jit3A : i32 to vector<128x16xi32>
    %rem3A_23 = arith.remsi %iota3A, %rem3A : vector<128x16xi32>
    %ne3A_24 = arith.constant 0 : i32
    %ne3A_25 = vector.broadcast %ne3A_24 : i32 to vector<128x16xi32>
    %ne3A_26 = arith.cmpi ne, %rem3A_23, %ne3A_25 : vector<128x16xi32>
    %and3A = arith.andi %ne3A_22, %ne3A_26 : vector<128x16xi1>
    %sub3A = arith.constant 1 : i32
    %sub3A_27 = vector.broadcast %sub3A : i32 to vector<128x16xi32>
    %sub3A_28 = arith.subi %div3A_6, %sub3A_27 : vector<128x16xi32>
    %select_n3A = arith.select %and3A, %sub3A_28, %div3A_6 : vector<128x16xi1>, vector<128x16xi32>
    %iota3A_29 = tpu.iota {dimensions = array<i32: 1>} : vector<128x16xi32>
    %eq3A = arith.cmpi eq, %select_n3A, %iota3A_29 : vector<128x16xi32>
    %lt3A = arith.constant 8 : i32
    %lt3A_30 = vector.broadcast %lt3A : i32 to vector<128x16xi32>
    %lt3A_31 = arith.cmpi slt, %iota3A_29, %lt3A_30 : vector<128x16xi32>
    %and3A_32 = arith.andi %eq3A, %lt3A_31 : vector<128x16xi1>
    %convert_element_type3A = arith.extui %and3A_32 : vector<128x16xi1> to vector<128x16xi32>
    %convert_element_type3A_33 = arith.sitofp %convert_element_type3A : vector<128x16xi32> to vector<128x16xf32>
    %dot_general3A = arith.constant dense<0.000000e+00> : vector<4x16xf32>
    %dot_general3A_34 = tpu.matmul %mul3A_5, %convert_element_type3A_33, %dot_general3A {dimension_numbers = #tpu.dot_dimension_numbers<[1], [0], [0], [1], [0, 0, 1, 1], [], []>, transpose_lhs_hint = false} : vector<4x128xf32>, vector<128x16xf32>, vector<4x16xf32> -> vector<4x16xf32>
    %iota3A_35 = tpu.iota {dimensions = array<i32: 0>} : vector<32x4xi32>
    %jit3A_36 = arith.constant 4 : i32
    %eq3A_37 = arith.constant 0 : i32
    %eq3A_38 = arith.cmpi eq, %jit3A_36, %eq3A_37 : i32
    %jit3A_39 = arith.constant 1 : i32
    %select_n3A_40 = arith.select %eq3A_38, %jit3A_39, %jit3A_36 : i32
    %rem3A_41 = vector.broadcast %select_n3A_40 : i32 to vector<32x4xi32>
    %rem3A_42 = arith.remsi %iota3A_35, %rem3A_41 : vector<32x4xi32>
    %ne3A_43 = arith.constant 0 : i32
    %ne3A_44 = vector.broadcast %ne3A_43 : i32 to vector<32x4xi32>
    %ne3A_45 = arith.cmpi ne, %rem3A_42, %ne3A_44 : vector<32x4xi32>
    %lt3A_46 = arith.constant 0 : i32
    %lt3A_47 = vector.broadcast %lt3A_46 : i32 to vector<32x4xi32>
    %lt3A_48 = arith.cmpi slt, %rem3A_42, %lt3A_47 : vector<32x4xi32>
    %lt3A_49 = arith.constant 0 : i32
    %lt3A_50 = arith.cmpi slt, %select_n3A_40, %lt3A_49 : i32
    %ne3A_51 = vector.broadcast %lt3A_50 : i1 to vector<32x4xi1>
    %ne3A_52 = vector.broadcast %ne3A_51 : vector<32x4xi1> to vector<32x4xi1>
    %ne3A_53 = arith.xori %lt3A_48, %ne3A_52 : vector<32x4xi1>
    %and3A_54 = arith.andi %ne3A_53, %ne3A_45 : vector<32x4xi1>
    %add3A = vector.broadcast %select_n3A_40 : i32 to vector<32x4xi32>
    %add3A_55 = arith.addi %rem3A_42, %add3A : vector<32x4xi32>
    %select_n3A_56 = arith.select %and3A_54, %add3A_55, %rem3A_42 : vector<32x4xi1>, vector<32x4xi32>
    %iota3A_57 = tpu.iota {dimensions = array<i32: 1>} : vector<32x4xi32>
    %eq3A_58 = arith.cmpi eq, %select_n3A_56, %iota3A_57 : vector<32x4xi32>
    %convert_element_type3A_59 = arith.extui %eq3A_58 : vector<32x4xi1> to vector<32x4xi32>
    %convert_element_type3A_60 = arith.sitofp %convert_element_type3A_59 : vector<32x4xi32> to vector<32x4xf32>
    %iota3A_61 = tpu.iota {dimensions = array<i32: 1>} : vector<16x128xi32>
    %jit3A_62 = arith.constant 16 : i32
    %eq3A_63 = arith.constant 0 : i32
    %eq3A_64 = arith.cmpi eq, %jit3A_62, %eq3A_63 : i32
    %jit3A_65 = arith.constant 1 : i32
    %select_n3A_66 = arith.select %eq3A_64, %jit3A_65, %jit3A_62 : i32
    %rem3A_67 = vector.broadcast %select_n3A_66 : i32 to vector<16x128xi32>
    %rem3A_68 = arith.remsi %iota3A_61, %rem3A_67 : vector<16x128xi32>
    %ne3A_69 = arith.constant 0 : i32
    %ne3A_70 = vector.broadcast %ne3A_69 : i32 to vector<16x128xi32>
    %ne3A_71 = arith.cmpi ne, %rem3A_68, %ne3A_70 : vector<16x128xi32>
    %lt3A_72 = arith.constant 0 : i32
    %lt3A_73 = vector.broadcast %lt3A_72 : i32 to vector<16x128xi32>
    %lt3A_74 = arith.cmpi slt, %rem3A_68, %lt3A_73 : vector<16x128xi32>
    %lt3A_75 = arith.constant 0 : i32
    %lt3A_76 = arith.cmpi slt, %select_n3A_66, %lt3A_75 : i32
    %ne3A_77 = vector.broadcast %lt3A_76 : i1 to vector<16x128xi1>
    %ne3A_78 = vector.broadcast %ne3A_77 : vector<16x128xi1> to vector<16x128xi1>
    %ne3A_79 = arith.xori %lt3A_74, %ne3A_78 : vector<16x128xi1>
    %and3A_80 = arith.andi %ne3A_79, %ne3A_71 : vector<16x128xi1>
    %add3A_81 = vector.broadcast %select_n3A_66 : i32 to vector<16x128xi32>
    %add3A_82 = arith.addi %rem3A_68, %add3A_81 : vector<16x128xi32>
    %select_n3A_83 = arith.select %and3A_80, %add3A_82, %rem3A_68 : vector<16x128xi1>, vector<16x128xi32>
    %iota3A_84 = tpu.iota {dimensions = array<i32: 0>} : vector<16x128xi32>
    %eq3A_85 = arith.cmpi eq, %select_n3A_83, %iota3A_84 : vector<16x128xi32>
    %convert_element_type3A_86 = arith.extui %eq3A_85 : vector<16x128xi1> to vector<16x128xi32>
    %convert_element_type3A_87 = arith.sitofp %convert_element_type3A_86 : vector<16x128xi32> to vector<16x128xf32>
    %iota3A_88 = tpu.iota {dimensions = array<i32: 0>} : vector<32x128xi32>
    %jit3A_89 = arith.constant 4 : i32
    %div3A_90 = vector.broadcast %jit3A_89 : i32 to vector<32x128xi32>
    %div3A_91 = arith.divsi %iota3A_88, %div3A_90 : vector<32x128xi32>
    %sign3A_92 = arith.constant 0 : i32
    %sign3A_93 = vector.broadcast %sign3A_92 : i32 to vector<32x128xi32>
    %sign3A_94 = arith.cmpi sgt, %iota3A_88, %sign3A_93 : vector<32x128xi32>
    %sign3A_95 = arith.extui %sign3A_94 : vector<32x128xi1> to vector<32x128xi32>
    %sign3A_96 = arith.constant 0 : i32
    %sign3A_97 = vector.broadcast %sign3A_96 : i32 to vector<32x128xi32>
    %sign3A_98 = arith.cmpi slt, %iota3A_88, %sign3A_97 : vector<32x128xi32>
    %sign3A_99 = arith.extui %sign3A_98 : vector<32x128xi1> to vector<32x128xi32>
    %sign3A_100 = arith.subi %sign3A_95, %sign3A_99 : vector<32x128xi32>
    %sign3A_101 = arith.constant 0 : i32
    %sign3A_102 = arith.cmpi sgt, %jit3A_89, %sign3A_101 : i32
    %sign3A_103 = arith.extui %sign3A_102 : i1 to i32
    %sign3A_104 = arith.constant 0 : i32
    %sign3A_105 = arith.cmpi slt, %jit3A_89, %sign3A_104 : i32
    %sign3A_106 = arith.extui %sign3A_105 : i1 to i32
    %sign3A_107 = arith.subi %sign3A_103, %sign3A_106 : i32
    %ne3A_108 = vector.broadcast %sign3A_107 : i32 to vector<32x128xi32>
    %ne3A_109 = arith.cmpi ne, %sign3A_100, %ne3A_108 : vector<32x128xi32>
    %rem3A_110 = vector.broadcast %jit3A_89 : i32 to vector<32x128xi32>
    %rem3A_111 = arith.remsi %iota3A_88, %rem3A_110 : vector<32x128xi32>
    %ne3A_112 = arith.constant 0 : i32
    %ne3A_113 = vector.broadcast %ne3A_112 : i32 to vector<32x128xi32>
    %ne3A_114 = arith.cmpi ne, %rem3A_111, %ne3A_113 : vector<32x128xi32>
    %and3A_115 = arith.andi %ne3A_109, %ne3A_114 : vector<32x128xi1>
    %sub3A_116 = arith.constant 1 : i32
    %sub3A_117 = vector.broadcast %sub3A_116 : i32 to vector<32x128xi32>
    %sub3A_118 = arith.subi %div3A_91, %sub3A_117 : vector<32x128xi32>
    %select_n3A_119 = arith.select %and3A_115, %sub3A_118, %div3A_91 : vector<32x128xi1>, vector<32x128xi32>
    %iota3A_120 = tpu.iota {dimensions = array<i32: 1>} : vector<32x128xi32>
    %jit3A_121 = arith.constant 16 : i32
    %div3A_122 = vector.broadcast %jit3A_121 : i32 to vector<32x128xi32>
    %div3A_123 = arith.divsi %iota3A_120, %div3A_122 : vector<32x128xi32>
    %sign3A_124 = arith.constant 0 : i32
    %sign3A_125 = vector.broadcast %sign3A_124 : i32 to vector<32x128xi32>
    %sign3A_126 = arith.cmpi sgt, %iota3A_120, %sign3A_125 : vector<32x128xi32>
    %sign3A_127 = arith.extui %sign3A_126 : vector<32x128xi1> to vector<32x128xi32>
    %sign3A_128 = arith.constant 0 : i32
    %sign3A_129 = vector.broadcast %sign3A_128 : i32 to vector<32x128xi32>
    %sign3A_130 = arith.cmpi slt, %iota3A_120, %sign3A_129 : vector<32x128xi32>
    %sign3A_131 = arith.extui %sign3A_130 : vector<32x128xi1> to vector<32x128xi32>
    %sign3A_132 = arith.subi %sign3A_127, %sign3A_131 : vector<32x128xi32>
    %sign3A_133 = arith.constant 0 : i32
    %sign3A_134 = arith.cmpi sgt, %jit3A_121, %sign3A_133 : i32
    %sign3A_135 = arith.extui %sign3A_134 : i1 to i32
    %sign3A_136 = arith.constant 0 : i32
    %sign3A_137 = arith.cmpi slt, %jit3A_121, %sign3A_136 : i32
    %sign3A_138 = arith.extui %sign3A_137 : i1 to i32
    %sign3A_139 = arith.subi %sign3A_135, %sign3A_138 : i32
    %ne3A_140 = vector.broadcast %sign3A_139 : i32 to vector<32x128xi32>
    %ne3A_141 = arith.cmpi ne, %sign3A_132, %ne3A_140 : vector<32x128xi32>
    %rem3A_142 = vector.broadcast %jit3A_121 : i32 to vector<32x128xi32>
    %rem3A_143 = arith.remsi %iota3A_120, %rem3A_142 : vector<32x128xi32>
    %ne3A_144 = arith.constant 0 : i32
    %ne3A_145 = vector.broadcast %ne3A_144 : i32 to vector<32x128xi32>
    %ne3A_146 = arith.cmpi ne, %rem3A_143, %ne3A_145 : vector<32x128xi32>
    %and3A_147 = arith.andi %ne3A_141, %ne3A_146 : vector<32x128xi1>
    %sub3A_148 = arith.constant 1 : i32
    %sub3A_149 = vector.broadcast %sub3A_148 : i32 to vector<32x128xi32>
    %sub3A_150 = arith.subi %div3A_123, %sub3A_149 : vector<32x128xi32>
    %select_n3A_151 = arith.select %and3A_147, %sub3A_150, %div3A_123 : vector<32x128xi1>, vector<32x128xi32>
    %eq3A_152 = arith.cmpi eq, %select_n3A_119, %select_n3A_151 : vector<32x128xi32>
    %dot_general3A_153 = arith.constant dense<0.000000e+00> : vector<32x16xf32>
    %dot_general3A_154 = tpu.matmul %convert_element_type3A_60, %dot_general3A_34, %dot_general3A_153 {dimension_numbers = #tpu.dot_dimension_numbers<[1], [0], [0], [1], [0, 0, 1, 1], [], []>, transpose_lhs_hint = false} : vector<32x4xf32>, vector<4x16xf32>, vector<32x16xf32> -> vector<32x16xf32>
    %dot_general3A_155 = arith.constant dense<0.000000e+00> : vector<32x128xf32>
    %dot_general3A_156 = tpu.matmul %dot_general3A_154, %convert_element_type3A_87, %dot_general3A_155 {dimension_numbers = #tpu.dot_dimension_numbers<[1], [0], [0], [1], [0, 0, 1, 1], [], []>, transpose_lhs_hint = false} : vector<32x16xf32>, vector<16x128xf32>, vector<32x128xf32> -> vector<32x128xf32>
    %convert_element_type3A_157 = arith.extui %eq3A_152 : vector<32x128xi1> to vector<32x128xi32>
    %convert_element_type3A_158 = arith.sitofp %convert_element_type3A_157 : vector<32x128xi32> to vector<32x128xf32>
    %mul3A_159 = arith.mulf %dot_general3A_156, %convert_element_type3A_158 : vector<32x128xf32>
    %get3A_160 = arith.constant 0 : index
    %get3A_161 = arith.constant 0 : index
    %get3A_162 = vector.load %arg1[%get3A_160, %get3A_161] : memref<1264x32xf32, #tpu.memory_space<vmem>>, vector<1264x32xf32>
    %dot_general3A_163 = arith.constant dense<0.000000e+00> : vector<1264x128xf32>
    %dot_general3A_164 = tpu.matmul %get3A_162, %mul3A_159, %dot_general3A_163 {dimension_numbers = #tpu.dot_dimension_numbers<[1], [0], [0], [1], [0, 0, 1, 1], [], []>, transpose_lhs_hint = false} : vector<1264x32xf32>, vector<32x128xf32>, vector<1264x128xf32> -> vector<1264x128xf32>
    %swap3A = arith.constant 0 : index
    %swap3A_165 = arith.constant 0 : index
    %swap3A_166 = vector.load %arg4[%swap3A, %swap3A_165] : memref<1264x128xf32, #tpu.memory_space<vmem>>, vector<1264x128xf32>
    tpu.vector_store %arg4[%swap3A, %swap3A_165], %dot_general3A_164 {strides = array<i32>} : memref<1264x128xf32, #tpu.memory_space<vmem>>, vector<1264x128xf32>,
    return
  }
  func.func @transform_0(%arg0: i32) -> (i32, i32) {
    %c0_i32 = arith.constant 0 : i32
    %c0_i32_0 = arith.constant 0 : i32
    return %arg0, %c0_i32 : i32, i32
  }
  func.func @transform_1(%arg0: i32) -> (i32, i32) {
    %c0_i32 = arith.constant 0 : i32
    %c0_i32_0 = arith.constant 0 : i32
    %c0_i32_1 = arith.constant 0 : i32
    return %c0_i32, %c0_i32_0 : i32, i32
  }
  func.func @transform_2(%arg0: i32) -> (i32, i32) {
    %c0_i32 = arith.constant 0 : i32
    %c0_i32_0 = arith.constant 0 : i32
    %c0_i32_1 = arith.constant 0 : i32
    return %c0_i32, %c0_i32_0 : i32, i32
  }
  func.func @transform_3(%arg0: i32) -> (i32, i32) {
    %c0_i32 = arith.constant 0 : i32
    %c0_i32_0 = arith.constant 0 : i32
    return %arg0, %c0_i32 : i32, i32
  }
}

module attributes {stable_mosaic.version = 14 : i64} {
  func.func @_post_body(%arg0: i32, %arg1: memref<2x1000x128xf32, #tpu.memory_space<vmem>>, %arg2: memref<2x1000x16xf32, #tpu.memory_space<vmem>>, %arg3: memref<1000x128xf32, #tpu.memory_space<vmem>>, %arg4: memref<1x128xf32, #tpu.memory_space<vmem>>, %arg5: memref<1x128xf32, #tpu.memory_space<vmem>>, %arg6: memref<1x128xf32, #tpu.memory_space<vmem>>, %arg7: memref<1000x128xf32, #tpu.memory_space<vmem>>) attributes {dimension_semantics = [#tpu.dimension_semantics<arbitrary>], iteration_bounds = array<i64: 10>, scalar_prefetch = 0 : i64, scratch_operands = 0 : i64, tpu.core_type = #tpu.core_type<tc>, window_params = [{transform_indices = @transform_0, window_bounds = array<i64: 2, 1000, 128>}, {transform_indices = @transform_1, window_bounds = array<i64: 2, 1000, 16>}, {transform_indices = @transform_2, window_bounds = array<i64: 1000, 128>}, {pipeline_mode = #tpu.pipeline_mode<synchronous>, transform_indices = @transform_3, window_bounds = array<i64: 1, 128>}, {pipeline_mode = #tpu.pipeline_mode<synchronous>, transform_indices = @transform_4, window_bounds = array<i64: 1, 128>}, {pipeline_mode = #tpu.pipeline_mode<synchronous>, transform_indices = @transform_5, window_bounds = array<i64: 1, 128>}, {transform_indices = @transform_6, window_bounds = array<i64: 1000, 128>}]} {
    %get3A = arith.constant 0 : index
    %get3A_0 = arith.constant 0 : index
    %get3A_1 = arith.constant 0 : index
    %get3A_2 = vector.load %arg1[%get3A, %get3A_0, %get3A_1] : memref<2x1000x128xf32, #tpu.memory_space<vmem>>, vector<1x1000x128xf32>
    %get3A_3 = vector.shape_cast %get3A_2 : vector<1x1000x128xf32> to vector<1000x128xf32>
    %get3A_4 = arith.constant 1 : index
    %get3A_5 = arith.constant 0 : index
    %get3A_6 = arith.constant 0 : index
    %get3A_7 = vector.load %arg1[%get3A_4, %get3A_5, %get3A_6] : memref<2x1000x128xf32, #tpu.memory_space<vmem>>, vector<1x1000x128xf32>
    %get3A_8 = vector.shape_cast %get3A_7 : vector<1x1000x128xf32> to vector<1000x128xf32>
    %add3A = arith.addf %get3A_3, %get3A_8 : vector<1000x128xf32>
    %get3A_9 = arith.constant 0 : index
    %get3A_10 = arith.constant 0 : index
    %get3A_11 = arith.constant 0 : index
    %get3A_12 = vector.load %arg2[%get3A_9, %get3A_10, %get3A_11] : memref<2x1000x16xf32, #tpu.memory_space<vmem>>, vector<1x1000x16xf32>
    %get3A_13 = vector.shape_cast %get3A_12 : vector<1x1000x16xf32> to vector<1000x16xf32>
    %get3A_14 = arith.constant 1 : index
    %get3A_15 = arith.constant 0 : index
    %get3A_16 = arith.constant 0 : index
    %get3A_17 = vector.load %arg2[%get3A_14, %get3A_15, %get3A_16] : memref<2x1000x16xf32, #tpu.memory_space<vmem>>, vector<1x1000x16xf32>
    %get3A_18 = vector.shape_cast %get3A_17 : vector<1x1000x16xf32> to vector<1000x16xf32>
    %add3A_19 = arith.addf %get3A_13, %get3A_18 : vector<1000x16xf32>
    %iota3A = tpu.iota {dimensions = array<i32: 0>} : vector<128x16xi32>
    %jit3A = arith.constant 16 : i32
    %div3A = vector.broadcast %jit3A : i32 to vector<128x16xi32>
    %div3A_20 = arith.divsi %iota3A, %div3A : vector<128x16xi32>
    %sign3A = arith.constant 0 : i32
    %sign3A_21 = vector.broadcast %sign3A : i32 to vector<128x16xi32>
    %sign3A_22 = arith.cmpi sgt, %iota3A, %sign3A_21 : vector<128x16xi32>
    %sign3A_23 = arith.extui %sign3A_22 : vector<128x16xi1> to vector<128x16xi32>
    %sign3A_24 = arith.constant 0 : i32
    %sign3A_25 = vector.broadcast %sign3A_24 : i32 to vector<128x16xi32>
    %sign3A_26 = arith.cmpi slt, %iota3A, %sign3A_25 : vector<128x16xi32>
    %sign3A_27 = arith.extui %sign3A_26 : vector<128x16xi1> to vector<128x16xi32>
    %sign3A_28 = arith.subi %sign3A_23, %sign3A_27 : vector<128x16xi32>
    %sign3A_29 = arith.constant 0 : i32
    %sign3A_30 = arith.cmpi sgt, %jit3A, %sign3A_29 : i32
    %sign3A_31 = arith.extui %sign3A_30 : i1 to i32
    %sign3A_32 = arith.constant 0 : i32
    %sign3A_33 = arith.cmpi slt, %jit3A, %sign3A_32 : i32
    %sign3A_34 = arith.extui %sign3A_33 : i1 to i32
    %sign3A_35 = arith.subi %sign3A_31, %sign3A_34 : i32
    %ne3A = vector.broadcast %sign3A_35 : i32 to vector<128x16xi32>
    %ne3A_36 = arith.cmpi ne, %sign3A_28, %ne3A : vector<128x16xi32>
    %rem3A = vector.broadcast %jit3A : i32 to vector<128x16xi32>
    %rem3A_37 = arith.remsi %iota3A, %rem3A : vector<128x16xi32>
    %ne3A_38 = arith.constant 0 : i32
    %ne3A_39 = vector.broadcast %ne3A_38 : i32 to vector<128x16xi32>
    %ne3A_40 = arith.cmpi ne, %rem3A_37, %ne3A_39 : vector<128x16xi32>
    %and3A = arith.andi %ne3A_36, %ne3A_40 : vector<128x16xi1>
    %sub3A = arith.constant 1 : i32
    %sub3A_41 = vector.broadcast %sub3A : i32 to vector<128x16xi32>
    %sub3A_42 = arith.subi %div3A_20, %sub3A_41 : vector<128x16xi32>
    %select_n3A = arith.select %and3A, %sub3A_42, %div3A_20 : vector<128x16xi1>, vector<128x16xi32>
    %iota3A_43 = tpu.iota {dimensions = array<i32: 1>} : vector<128x16xi32>
    %eq3A = arith.cmpi eq, %select_n3A, %iota3A_43 : vector<128x16xi32>
    %lt3A = arith.constant 8 : i32
    %lt3A_44 = vector.broadcast %lt3A : i32 to vector<128x16xi32>
    %lt3A_45 = arith.cmpi slt, %iota3A_43, %lt3A_44 : vector<128x16xi32>
    %and3A_46 = arith.andi %eq3A, %lt3A_45 : vector<128x16xi1>
    %convert_element_type3A = arith.extui %and3A_46 : vector<128x16xi1> to vector<128x16xi32>
    %convert_element_type3A_47 = arith.sitofp %convert_element_type3A : vector<128x16xi32> to vector<128x16xf32>
    %transpose3A = tpu.transpose %convert_element_type3A_47, [1, 0] : vector<128x16xf32> -> vector<16x128xf32>
    %dot_general3A = arith.constant dense<0.000000e+00> : vector<1000x128xf32>
    %dot_general3A_48 = tpu.matmul %add3A_19, %transpose3A, %dot_general3A {dimension_numbers = #tpu.dot_dimension_numbers<[1], [0], [0], [1], [0, 0, 1, 1], [], []>, transpose_lhs_hint = false} : vector<1000x16xf32>, vector<16x128xf32>, vector<1000x128xf32> -> vector<1000x128xf32>
    %add3A_49 = arith.constant 1.000000e-16 : f32
    %add3A_50 = vector.broadcast %add3A_49 : f32 to vector<1000x128xf32>
    %add3A_51 = arith.addf %dot_general3A_48, %add3A_50 : vector<1000x128xf32>
    %div3A_52 = arith.divf %add3A, %add3A_51 : vector<1000x128xf32>
    %get3A_53 = arith.constant 0 : index
    %get3A_54 = arith.constant 0 : index
    %get3A_55 = vector.load %arg4[%get3A_53, %get3A_54] : memref<1x128xf32, #tpu.memory_space<vmem>>, vector<1x128xf32>
    %add3A_56 = vector.broadcast %get3A_55 : vector<1x128xf32> to vector<1000x128xf32>
    %add3A_57 = arith.addf %div3A_52, %add3A_56 : vector<1000x128xf32>
    %get3A_58 = arith.constant 0 : index
    %get3A_59 = arith.constant 0 : index
    %get3A_60 = vector.load %arg3[%get3A_58, %get3A_59] : memref<1000x128xf32, #tpu.memory_space<vmem>>, vector<1000x128xf32>
    %add3A_61 = arith.addf %add3A_57, %get3A_60 : vector<1000x128xf32>
    %reduce_sum3A = arith.constant dense<0.000000e+00> : vector<1000xf32>
    %reduce_sum3A_62 = vector.multi_reduction <add>, %add3A_61, %reduce_sum3A [1] : vector<1000x128xf32> to vector<1000xf32>
    %broadcast_in_dim3A = vector.shape_cast %reduce_sum3A_62 : vector<1000xf32> to vector<1000x1xf32>
    %div3A_63 = arith.constant 1.280000e+02 : f32
    %div3A_64 = vector.broadcast %div3A_63 : f32 to vector<1000x1xf32>
    %div3A_65 = arith.divf %broadcast_in_dim3A, %div3A_64 : vector<1000x1xf32>
    %sub3A_66 = vector.broadcast %div3A_65 : vector<1000x1xf32> to vector<1000x128xf32>
    %sub3A_67 = arith.subf %add3A_61, %sub3A_66 : vector<1000x128xf32>
    %sub3A_68 = vector.broadcast %div3A_65 : vector<1000x1xf32> to vector<1000x128xf32>
    %sub3A_69 = arith.subf %add3A_61, %sub3A_68 : vector<1000x128xf32>
    %mul3A = arith.mulf %sub3A_67, %sub3A_69 : vector<1000x128xf32>
    %reduce_sum3A_70 = arith.constant dense<0.000000e+00> : vector<1000xf32>
    %reduce_sum3A_71 = vector.multi_reduction <add>, %mul3A, %reduce_sum3A_70 [1] : vector<1000x128xf32> to vector<1000xf32>
    %broadcast_in_dim3A_72 = vector.shape_cast %reduce_sum3A_71 : vector<1000xf32> to vector<1000x1xf32>
    %div3A_73 = arith.constant 1.280000e+02 : f32
    %div3A_74 = vector.broadcast %div3A_73 : f32 to vector<1000x1xf32>
    %div3A_75 = arith.divf %broadcast_in_dim3A_72, %div3A_74 : vector<1000x1xf32>
    %sub3A_76 = vector.broadcast %div3A_65 : vector<1000x1xf32> to vector<1000x128xf32>
    %sub3A_77 = arith.subf %add3A_61, %sub3A_76 : vector<1000x128xf32>
    %add3A_78 = arith.constant 9.99999974E-6 : f32
    %add3A_79 = vector.broadcast %add3A_78 : f32 to vector<1000x1xf32>
    %add3A_80 = arith.addf %div3A_75, %add3A_79 : vector<1000x1xf32>
    %rsqrt3A = math.rsqrt %add3A_80 : vector<1000x1xf32>
    %mul3A_81 = vector.broadcast %rsqrt3A : vector<1000x1xf32> to vector<1000x128xf32>
    %mul3A_82 = arith.mulf %sub3A_77, %mul3A_81 : vector<1000x128xf32>
    %get3A_83 = arith.constant 0 : index
    %get3A_84 = arith.constant 0 : index
    %get3A_85 = vector.load %arg5[%get3A_83, %get3A_84] : memref<1x128xf32, #tpu.memory_space<vmem>>, vector<1x128xf32>
    %mul3A_86 = vector.broadcast %get3A_85 : vector<1x128xf32> to vector<1000x128xf32>
    %mul3A_87 = arith.mulf %mul3A_82, %mul3A_86 : vector<1000x128xf32>
    %get3A_88 = arith.constant 0 : index
    %get3A_89 = arith.constant 0 : index
    %get3A_90 = vector.load %arg6[%get3A_88, %get3A_89] : memref<1x128xf32, #tpu.memory_space<vmem>>, vector<1x128xf32>
    %add3A_91 = vector.broadcast %get3A_90 : vector<1x128xf32> to vector<1000x128xf32>
    %add3A_92 = arith.addf %mul3A_87, %add3A_91 : vector<1000x128xf32>
    %gt3A = arith.constant 0.000000e+00 : f32
    %gt3A_93 = vector.broadcast %gt3A : f32 to vector<1000x128xf32>
    %gt3A_94 = arith.cmpf ogt, %add3A_92, %gt3A_93 : vector<1000x128xf32>
    %exp3A = math.exp %add3A_92 : vector<1000x128xf32>
    %sub3A_95 = arith.constant 1.000000e+00 : f32
    %sub3A_96 = vector.broadcast %sub3A_95 : f32 to vector<1000x128xf32>
    %sub3A_97 = arith.subf %exp3A, %sub3A_96 : vector<1000x128xf32>
    %select_n3A_98 = arith.select %gt3A_94, %add3A_92, %sub3A_97 : vector<1000x128xi1>, vector<1000x128xf32>
    %swap3A = arith.constant 0 : index
    %swap3A_99 = arith.constant 0 : index
    %swap3A_100 = vector.load %arg7[%swap3A, %swap3A_99] : memref<1000x128xf32, #tpu.memory_space<vmem>>, vector<1000x128xf32>
    tpu.vector_store %arg7[%swap3A, %swap3A_99], %select_n3A_98 {strides = array<i32>} : memref<1000x128xf32, #tpu.memory_space<vmem>>, vector<1000x128xf32>,
    return
  }
  func.func @transform_0(%arg0: i32) -> (i32, i32, i32) {
    %c0_i32 = arith.constant 0 : i32
    %c0_i32_0 = arith.constant 0 : i32
    %c0_i32_1 = arith.constant 0 : i32
    return %c0_i32, %arg0, %c0_i32_0 : i32, i32, i32
  }
  func.func @transform_1(%arg0: i32) -> (i32, i32, i32) {
    %c0_i32 = arith.constant 0 : i32
    %c0_i32_0 = arith.constant 0 : i32
    %c0_i32_1 = arith.constant 0 : i32
    return %c0_i32, %arg0, %c0_i32_0 : i32, i32, i32
  }
  func.func @transform_2(%arg0: i32) -> (i32, i32) {
    %c0_i32 = arith.constant 0 : i32
    %c0_i32_0 = arith.constant 0 : i32
    return %arg0, %c0_i32 : i32, i32
  }
  func.func @transform_3(%arg0: i32) -> (i32, i32) {
    %c0_i32 = arith.constant 0 : i32
    %c0_i32_0 = arith.constant 0 : i32
    %c0_i32_1 = arith.constant 0 : i32
    return %c0_i32, %c0_i32_0 : i32, i32
  }
  func.func @transform_4(%arg0: i32) -> (i32, i32) {
    %c0_i32 = arith.constant 0 : i32
    %c0_i32_0 = arith.constant 0 : i32
    %c0_i32_1 = arith.constant 0 : i32
    return %c0_i32, %c0_i32_0 : i32, i32
  }
  func.func @transform_5(%arg0: i32) -> (i32, i32) {
    %c0_i32 = arith.constant 0 : i32
    %c0_i32_0 = arith.constant 0 : i32
    %c0_i32_1 = arith.constant 0 : i32
    return %c0_i32, %c0_i32_0 : i32, i32
  }
  func.func @transform_6(%arg0: i32) -> (i32, i32) {
    %c0_i32 = arith.constant 0 : i32
    %c0_i32_0 = arith.constant 0 : i32
    return %arg0, %c0_i32 : i32, i32
  }
}

</mosaic_0001>

<sc_bundles>
// kernel: kernel.6.cloned.1.call-start
scs
__scs_entry_jumppad:
0x0: {  	(pc) =	sbr.rel $0x88, $3  }
0x1: {  	(tag) =	ssettag $0x0;
	lr =	simm.s32 $0x1  }
0x2: {  	[smem:$0x3F96] =	sst lr;
	_ =	strace $0xD0000000  }
0x3: {  	_ = 	snop  }
0x4: {  	_ = 	snop  }
0x5: {  	_ = 	snop  }
0x6: {  	_ = 	snop  }
0x7: {  	_ = 	snop  }
__scs_overlays_trampoline_lowered:
0x8: {  	[smem:$0x3FA5] =	sst s0  }
0x9: {  	[smem:$0x3FA6] =	sst s1  }
0xa: {  	[smem:$0x3FA7] =	sst s2  }
0xb: {  	[smem:$0x3FA8] =	sst s3  }
0xc: {  	[smem:$0x3FA9] =	sst s4  }
0xd: {  	[smem:$0x3FAA] =	sst s5  }
0xe: {  	[smem:$0x3FAB] =	sst s6  }
0xf: {  	[smem:$0x3FAC] =	sst s7  }
0x10: {  	[smem:$0x3FAD] =	sst s8  }
0x11: {  	[smem:$0x3FAE] =	sst s9;
	s0 =	simm.s32 @!p0 $0x0  }
0x12: {  	s1 =	sld [smem:$0x3F94];
	s0 =	simm.s32 @p0 $0x1  }
0x13: {  	[smem:$0x3FAF] =	sst s0;
	s0 =	simm.s32 @!p1 $0x0  }
0x14: {  	s2 =	sld [smem:$0x3F93];
	s0 =	simm.s32 @p1 $0x1  }
0x15: {  	[smem:$0x3FB0] =	sst s0;
	s0 =	simm.s32 @!p2 $0x0  }
0x16: {  	s3 =	sld [smem:$0x3FDB];
	s0 =	simm.s32 @p2 $0x1  }
0x17: {  	s4 =	simm.s32 $0x1BF5;
	[smem:$0x3FB2] =	sst s0  }
0x18: {  	s0 =	sld [smem:$0x3F95];
	_ =	swait.ge [sflag:s4], $0x0  }
0x19: {  	s7 =	sld [smem:$0x3F96]  }
0x1a: {  	s8 =	sadd.s32 $0xFFFFE003, lr  }
0x1b: {  	s9 =	sadd.s32 $0xFFFFFEF7, lr;
	s5 =	simm.s32 $0xFFFFFFFF;
	p2 =	slt.u32 s8, $0xFFFFF086  }
0x1c: {  	p1 =	slt.u32 s9, $0xF7A;
	s5 =	simm.s32 @!p2 $0x0  }
0x1d: {  	s5 =	simm.s32 @p1 $0x1;
	p0 =	seq.s32 s7, s2  }
0x1e: {  	s7 =	smul.u32 @!p0 $0xF7A, s2;
	p2 =	seq.s32 @!p0 s5, $0x0  }
0x1f: {  	s9 =	smul.u32 $0xF7A, s1;
	s8 =	simm.s32 @!p0 $0x1BF5;
	p2 =	por !p2, p0  }
0x20: {  	[sflag:s8] =	ssyncset.s32 @!p0 $0xFFFFF086;
	s6 =	sadd.s32 @!p0 s3, s7;
	s7 =	simm.s32 @!p0 $0x108  }
0x21: {  	s3 =	sadd.s32 s3, s9;
	s6 =	sadd.s32 @!p0 $0x88, s6;
	s7 =	simm.s32 @p2 $0x1082  }
0x22: {  	[simem:s7], [sflag:s8] =	dma.local @!p0 [hbm:s6], $0xF7A  }
0x23: {  	s9 =	sor.u32 $0xD0000000, s2;
	s6 =	simm.s32 $0x108;
	_ =	swait.ge @!p0 [sflag:s8], $0x0  }
0x24: {  	s3 =	sadd.s32 $0x88, s3;
	s6 =	simm.s32 @!p1 $0x1082;
	[sflag:s4] =	ssyncset.s32 $0xFFFFF086  }
0x25: {  	[simem:s6], [sflag:s4] =	dma.local [hbm:s3], $0xF7A  }
0x26: {  	[smem:$0x3F96] =	sst s1;
	(tag) =	ssettag s2;
	_ =	strace s9  }
0x27: {  	s1 =	sld [smem:$0x3FA6]  }
0x28: {  	s2 =	sld [smem:$0x3FA7]  }
0x29: {  	s4 =	sld [smem:$0x3FA9]  }
0x2a: {  	p0 =	seq.s32 s5, $0x0;
	s5 =	sld [smem:$0x3FAA]  }
0x2b: {  	s6 =	sld [smem:$0x3FAB]  }
0x2c: {  	s7 =	sld [smem:$0x3FAC]  }
0x2d: {  	s3 =	simm.s32 $0x108;
	s8 =	sld [smem:$0x3FAD]  }
0x2e: {  	s3 =	simm.s32 @!p0 $0x1082;
	s9 =	sld [smem:$0x3FAE]  }
0x2f: {  	lr =	sadd.s32 s0, s3;
	s0 =	sld [smem:$0x3FA5]  }
0x30: {  	s3 =	sld [smem:$0x3FA8]  }
0x31: {  	[smem:$0x3FB1] =	sst s10  }
0x32: {  	s10 =	sld [smem:$0x3FAF];
	_ =	sdelay $0x3  }
0x33: {  	p0 =	seq.s32 s10, $0x1;
	s10 =	sld [smem:$0x3FB1];
	_ =	sdelay $0x3  }
0x34: {  	[smem:$0x3FB1] =	sst s10  }
0x35: {  	s10 =	sld [smem:$0x3FB0];
	_ =	sdelay $0x3  }
0x36: {  	p1 =	seq.s32 s10, $0x1;
	s10 =	sld [smem:$0x3FB1];
	_ =	sdelay $0x3  }
0x37: {  	[smem:$0x3FB1] =	sst s10  }
0x38: {  	s10 =	sld [smem:$0x3FB2]  }
0x39: {  	_ = 	snop;
	(pc) =	sbr.ind lr, $3  }
0x3a: {  	_ = 	snop  }
0x3b: {  	_ = 	snop  }
0x3c: {  	p2 =	seq.s32 s10, $0x1;
	s10 =	sld [smem:$0x3FB1]  }
0x3d: {  	_ =	shalt  }
0x3e: {  	_ =	shalt  }
0x3f: {  	_ =	shalt  }
0x40: {  	_ =	shalt  }
0x41: {  	_ =	shalt  }
0x42: {  	_ =	shalt  }
0x43: {  	_ =	shalt  }
0x44: {  	_ =	shalt  }
0x45: {  	_ =	shalt  }
0x46: {  	_ =	shalt  }
0x47: {  	_ =	shalt  }
0x48: {  	_ =	shalt  }
0x49: {  	_ =	shalt  }
0x4a: {  	_ =	shalt  }
0x4b: {  	_ =	shalt  }
0x4c: {  	_ =	shalt  }
0x4d: {  	_ =	shalt  }
0x4e: {  	_ =	shalt  }
0x4f: {  	_ =	shalt  }
0x50: {  	_ =	shalt  }
0x51: {  	_ =	shalt  }
0x52: {  	_ =	shalt  }
0x53: {  	_ =	shalt  }
0x54: {  	_ =	shalt  }
0x55: {  	_ =	shalt  }
0x56: {  	_ =	shalt  }
0x57: {  	_ =	shalt  }
0x58: {  	_ =	shalt  }
0x59: {  	_ =	shalt  }
0x5a: {  	_ =	shalt  }
0x5b: {  	_ =	shalt  }
0x5c: {  	_ =	shalt  }
0x5d: {  	_ =	shalt  }
0x5e: {  	_ =	shalt  }
0x5f: {  	_ =	shalt  }
0x60: {  	_ =	shalt  }
0x61: {  	_ =	shalt  }
0x62: {  	_ =	shalt  }
0x63: {  	_ =	shalt  }
0x64: {  	_ =	shalt  }
0x65: {  	_ =	shalt  }
0x66: {  	_ =	shalt  }
0x67: {  	_ =	shalt  }
0x68: {  	_ =	shalt  }
0x69: {  	_ =	shalt  }
0x6a: {  	_ =	shalt  }
0x6b: {  	_ =	shalt  }
0x6c: {  	_ =	shalt  }
0x6d: {  	_ =	shalt  }
0x6e: {  	_ =	shalt  }
0x6f: {  	_ =	shalt  }
0x70: {  	_ =	shalt  }
0x71: {  	_ =	shalt  }
0x72: {  	_ =	shalt  }
0x73: {  	_ =	shalt  }
0x74: {  	_ =	shalt  }
0x75: {  	_ =	shalt  }
0x76: {  	_ =	shalt  }
0x77: {  	_ =	shalt  }
0x78: {  	_ =	shalt  }
0x79: {  	_ =	shalt  }
0x7a: {  	_ =	shalt  }
0x7b: {  	_ =	shalt  }
0x7c: {  	_ =	shalt  }
0x7d: {  	_ =	shalt  }
0x7e: {  	_ =	shalt  }
0x7f: {  	_ =	shalt  }
0x80: {  	_ =	shalt  }
0x81: {  	_ =	shalt  }
0x82: {  	_ =	shalt  }
0x83: {  	_ =	shalt  }
0x84: {  	_ =	shalt  }
0x85: {  	_ =	shalt  }
0x86: {  	_ =	shalt  }
0x87: {  	_ =	shalt  }
.Lfunc_end0:
.L_simem_size_0:
called_computation_lowered:
.L_overlay_start_0:
0x88: {  	s2 =	sld [smem:$0x3FD9]  }
0x89: {  	s3 =	sld [smem:$0x3FFE];
	_ =	sdelay $0x1  }
0x8a: {  	s1 =	srdreg.scid  }
0x8b: {  	s0 =	sand.u32 $0x1, s1  }
0x8c: {  	s17 =	sshll.u32 s0, $0xA;
	s2 =	sadd.s32 s3, s2  }
0x8d: {  	s2 =	sadd.s32 s2, s17  }
0x8e: {  	[smem:$0x3FBD] =	sst s2  }
0x8f: {  	_ = 	snop  }
0x90: {  	s2 =	sld [smem:$0x3FD0];
	(tm) =	ssettm $0x1  }
0x91: {  	s18 =	sld [smem:$0x3FFB];
	_ =	sdelay $0x3  }
0x92: {  	_ =	strace s18  }
0x93: {  	s3 =	sld [smem:$0x3FFC];
	_ =	sdelay $0x3  }
0x94: {  	_ =	strace s3  }
0x95: {  	s3 =	sld [smem:$0x3FFD];
	_ =	sdelay $0x3  }
0x96: {  	_ =	strace s3  }
0x97: {  	_ =	strace $0x8FFFFFFF  }
0x98: {  	s19 =	sld [smem:$0x3FDB];
	_ =	sdelay $0x1  }
0x99: {  	s4 =	simm.s32 $_scs_section_size  }
0x9a: {  	s5 =	simm.s32 $_size__tile_overlayer_lowered;
	s6 =	simm.s32 $_tile_overlayer_lowered  }
0x9b: {  	s22 =	simm.s32 $0x1BFF;
	s21 =	sshll.u32 s6, $0x1;
	s3 =	sadd.s32 s4, s19  }
0x9c: {  	s7 =	simm.s32 $0x0;
	s20 =	sshll.u32 s5, $0x1;
	s5 =	sadd.s32 s21, s3  }
0x9d: {  	[timem:s7], [sflag:s22] =	dma.local [hbm:s5], s20  }
0x9e: {  	_ =	swait.ge [sflag:s22], s20  }
0x9f: {  	s4 =	ssub.s32 $0x0, s20;
	[sflag:s22] =	ssyncset.done $0x0  }
0xa0: {  	[sflag:s22] =	ssyncadd.s32 s4;
	_ =	sdelay $0x1  }
0xa1: {  	s23 =	simm.s32 $0x1B8B  }
0xa2: {  	_ =	swait.ge [sflag:s23], $0x1  }
0xa3: {  	[sflag:s23] =	ssyncset.done $0x0  }
0xa4: {  	s25 =	simm.s32 $0x1B8E;
	s24 =	sld [smem:$0x3FFE];
	[sflag:s23] =	ssyncadd.s32 $0xFFFFFFFF  }
0xa5: {  	s26 =	simm.s32 $execute0_lowered;
	[smem:$0x3FD2] =	sst s25  }
0xa6: {  	s5 =	sshll.u32 s26, $0x1;
	_ =	strace $0x80000046;
	[dreg:$0x1] =	wrdreg $0xFFFFFFFF  }
0xa7: {  	s28 =	simm.s32 $_size_execute0_lowered;
	s3 =	sadd.s32 s3, s5;
	[dreg:$0x0] =	wrdreg $0x0  }
0xa8: {  	s5 =	sshll.u32 s28, $0x1;
	[dreg:$0x2] =	wrdreg s3  }
0xa9: {  	[dreg:$0x3] =	wrdreg s5  }
0xaa: {  	[dreg:$0x4] =	wrdreg $0xC0  }
0xab: {  	_ =	task [dreg:s7], $0x5FFFF  }
0xac: {  	[dreg:$0x1] =	wrdreg $0xFFFFFFFF  }
0xad: {  	[dreg:$0x0] =	wrdreg $0x60  }
0xae: {  	[dreg:$0x2] =	wrdreg s24  }
0xaf: {  	[dreg:$0x3] =	wrdreg s2  }
0xb0: {  	[dreg:$0x4] =	wrdreg $0x61000  }
0xb1: {  	[dreg:$0x5] =	wrdreg $0x1A1000  }
0xb2: {  	[dreg:$0x6] =	wrdreg $0x9  }
0xb3: {  	_ =	task.clear_ibuf [dreg:s7], $0x7FFFF;
	_ =	strace $0x90000046  }
0xb4: {  	s29 =	simm.s32 $0x9;
	_ =	strace $0x80000048  }
0xb5: {  	_ =	swait.ge [sflag:s29], $0x1  }
0xb6: {  	[sflag:s29] =	ssyncadd.s32 $0xFFFFFFFF  }
0xb7: {  	_ =	strace $0x90000048  }
0xb8: {  	_ =	sfence  }
0xb9: {  	s30 =	sld [smem:$0x0];
	_ =	sdelay $0x2  }
0xba: {  	s31 =	sshll.u32 s1, $0xD;
	s1 =	sshrl.u32 s1, $0x2  }
0xbb: {  	s3 =	sand.u32 $0x4000, s31;
	s1 =	sadd.s32 s1, s30  }
0xbc: {  	s0 =	sor.u32 s3, s0;
	s1 =	sshll.u32 s1, $0x11  }
0xbd: {  	s0 =	sor.u32 s1, s0  }
0xbe: {  	s0 =	sadd.s32 $0x8F2B, s0  }
0xbf: {  	[sflag:s0] =	ssyncadd.remote.s32 $0x1  }
0xc0: {  	_ =	sfence.sel $0xFFFF  }
0xc1: {  	[dreg:$0x0] =	wrdreg $0xFFFFFFFF;
	(pc) =	sbr.abs _section_cstart, $3  }
0xc2: {  	[dreg:$0x1] =	wrdreg $0xFFFFFFFF  }
0xc3: {  	_ =	task.clear_ibuf [dreg:s7], $0x2FFFF;
	_ =	strace $0x9FFFFFFF  }
0xc4: {  	(tm) =	ssettm $0x7FFFFFFF  }
0xc5: {  	_ =	shalt  }
tec
execute0_lowered:
.L_overlay_start_1:
0x0: {  	(tag) =	ssettag $0x1  }
0x1: {  	s0 =	rddreg [dreg:$0x0]  }
0x2: {  	s2 =	rddreg [dreg:$0x1]  }
0x3: {  	s1 =	rddreg [dreg:$0x2]  }
0x4: {  	s3 =	rddreg [dreg:$0x3];
	s4 =	simm.s32 $0x0;
	s5 =	srdreg.scid  }
0x5: {  	s19 =	stileid.u32;
	s28 =	simm.s32 $0x900;
	s29 =	simm.s32 $0x80  }
0x6: {  	s30 =	simm.s32 $0x1100;
	s31 =	simm.s32 $0x1900;
	[smem:$0x7FF] =	sst s4  }
0x7: {  	s11 =	sand.u32 $0x1, s5;
	s13 =	smul.u32 $0x280, s19;
	s5 =	sadd.s32 $0x2600, s0  }
0x8: {  	s6 =	sadd.s32 $0x2A600, s0;
	s7 =	sadd.s32 $0x2F600, s0;
	s8 =	sadd.s32 $0x34600, s0  }
0x9: {  	s9 =	sadd.s32 $0xD2600, s0;
	s10 =	sadd.s32 $0xDC400, s0;
	s16 =	smul.u32 $0x50000, s19  }
0xa: {  	s18 =	sshll.u32 s19, $0x1;
	s19 =	smul.u32 $0xA000, s19;
	s15 =	ssub.s32 $0x2, s11  }
0xb: {  	_ =	strace $0x80000047;
	s12 =	smul.u32 $0x2800, s11;
	s17 =	sshrl.u32 s15, $0x1  }
0xc: {  	s20 =	sshrl.u32 s16, $0x2;
	s21 =	sshrl.u32 s19, $0x2;
	s22 =	sadd.s32 $0x80, s13  }
0xd: {  	s24 =	sadd.s32 $0x100, s13;
	s26 =	sadd.s32 $0x180, s13;
	s14 =	sadd.s32 s13, s12  }
0xe: {  	s15 =	ssub.s32 s15, s17;
	s17 =	sor.u32 s11, s18;
	s11 =	sadd.s32 s20, s1  }
0xf: {  	s23 =	sshll.u32 s22, $0x7;
	s16 =	sshll.u32 s22, $0x4;
	s25 =	sshll.u32 s24, $0x7  }
0x10: {  	s20 =	sshll.u32 s24, $0x4;
	s13 =	sadd.s32 $0x200, s13;
	s12 =	sshll.u32 s14, $0x4  }
0x11: {  	s18 =	sadd.s32 s23, s1;
	s16 =	sadd.s32 s16, s3;
	s23 =	sshll.u32 s26, $0x4  }
0x12: {  	s24 =	sshll.u32 s13, $0x7;
	s13 =	sshll.u32 s13, $0x4;
	[dreg:$0x5] =	wrdreg s18  }
0x13: {  	s0 =	sadd.s32 s12, s0;
	s12 =	sadd.s32 s21, s3;
	[dreg:$0x6] =	wrdreg s16  }
0x14: {  	s16 =	sadd.s32 s25, s1;
	s21 =	sshll.u32 s26, $0x7;
	s25 =	sadd.s32 s24, s1  }
0x15: {  	s13 =	sadd.s32 s13, s3;
	s26 =	sshll.u32 s14, $0x1;
	[dreg:$0x7] =	wrdreg s16  }
0x16: {  	s24 =	smax.u32 s15, $0x1;
	s14 =	simm.s32 $0x3;
	[dreg:$0xb] =	wrdreg s25  }
0x17: {  	s16 =	sadd.s32 s20, s3;
	s22 =	sadd.s32 s21, s1;
	[dreg:$0xc] =	wrdreg s13  }
0x18: {  	s21 =	smul.u32 $0x4F, s17;
	s25 =	simm.s32 $0x2100;
	[dreg:$0x8] =	wrdreg s16  }
0x19: {  	v0 =	vimm.f32 $0.0e+00;
	v1 =	vimm.s32 $0x0;
	v2 =	vimm.s32 $0x1;
	s13 =	simm.s32 $0x2;
	[dreg:$0x9] =	wrdreg s22;
	s16 =	sadd.s32 s23, s3  }
0x1a: {  	v3 =	vimm.s32 $0x2;
	v4 =	vimm.s32 $0x3;
	v5 =	vimm.s32 $0x4;
	s22 =	sadd.s32 $0xE6200, s0;
	s23 =	sadd.s32 s2, s26;
	s26 =	simm.s32 $0x4  }
0x1b: {  	v6 =	vimm.s32 $0x5;
	v7 =	vimm.s32 $0x6;
	v8 =	vimm.s32 $0x7;
	s0 =	simm.s32 $0x100;
	s2 =	simm.s32 $0x1;
	[dreg:$0xa] =	wrdreg s16  }
.LBB2_1:
0x1c: {  	s15 =	simm.s32 $0x2140  }
0x1d: {  	[tilespmem:s15+$0xFFFFFFD0] =	vst v0  }
0x1e: {  	[tilespmem:s15+$0xFFFFFFE0] =	vst v0  }
0x1f: {  	[tilespmem:s15+$0xFFFFFFF0] =	vst v0  }
0x20: {  	[tilespmem:s15+$0x0] =	vst v0  }
0x21: {  	[tilespmem:s15+$0x10] =	vst v0  }
0x22: {  	[tilespmem:s15+$0x20] =	vst v0  }
0x23: {  	[tilespmem:s15+$0x30] =	vst v0  }
0x24: {  	s17 =	simm.s32 $0x0;
	s16 =	simm.s32 $0x40;
	[tilespmem:s15+$0xFFFFFFC0] =	vst v0  }
.LBB2_2:
0x25: {  	p0 =	sne.s32 s16, $0x1FC0;
	[tilespmem:s17+$0x900] =	vst v0;
	s15 =	sadd.s32 $0x80, s15  }
0x26: {  	[tilespmem:s15+$0xFFFFFFD0] =	vst v0  }
0x27: {  	[tilespmem:s15+$0xFFFFFFE0] =	vst v0  }
0x28: {  	[tilespmem:s15+$0xFFFFFFF0] =	vst v0  }
.Ltmp0:
0x29: {  	[tilespmem:s15+$0x0] =	vst v0;
	(pc) =	sbr.rel @p0 .LBB2_2-.Ltmp0, $4  }
0x2a: {  	[tilespmem:s15+$0x10] =	vst v0  }
0x2b: {  	[tilespmem:s15+$0x20] =	vst v0  }
0x2c: {  	[tilespmem:s15+$0x30] =	vst v0  }
0x2d: {  	s17 =	sshra.s32 s16, $0x2;
	s16 =	sadd.s32 $0x40, s16;
	[tilespmem:s15+$0xFFFFFFC0] =	vst v0  }
0x2e: {  	[tilespmem:s17+$0x900] =	vst v0  }
0x2f: {  	[spmem:s11] =	stream.linear.scatter [tilespmem:s25], [sflag:$0x4], $0x4000, $0x38;
	[tilespmem:$0x1C900] =	vst v63  }
0x30: {  	_ =	swait.ge [sflag:s26], $0x4000  }
0x31: {  	[sflag:s26] =	ssyncset.done $0x0  }
0x32: {  	[sflag:s26] =	ssyncadd.s32 $0xFFFFC000  }
0x33: {  	[spmem:s12] =	stream.linear.scatter [tilespmem:s28], [sflag:$0x4], $0x800, $0x38;
	[tilespmem:$0x1C900] =	vst v63  }
0x34: {  	_ =	swait.ge [sflag:s26], $0x800  }
0x35: {  	[sflag:s26] =	ssyncset.done $0x0  }
0x36: {  	s15 =	rddreg [dreg:$0x5];
	[sflag:s26] =	ssyncadd.s32 $0xFFFFF800  }
0x37: {  	[spmem:s15] =	stream.linear.scatter [tilespmem:s25], [sflag:$0x4], $0x4000, $0x38;
	[tilespmem:$0x1C900] =	vst v63  }
0x38: {  	_ =	swait.ge [sflag:s26], $0x4000  }
0x39: {  	[sflag:s26] =	ssyncset.done $0x0  }
0x3a: {  	s19 =	rddreg [dreg:$0x6];
	[sflag:s26] =	ssyncadd.s32 $0xFFFFC000  }
0x3b: {  	[spmem:s19] =	stream.linear.scatter [tilespmem:s28], [sflag:$0x4], $0x800, $0x38;
	[tilespmem:$0x1C900] =	vst v63  }
0x3c: {  	_ =	swait.ge [sflag:s26], $0x800  }
0x3d: {  	[sflag:s26] =	ssyncset.done $0x0  }
0x3e: {  	s20 =	rddreg [dreg:$0x7];
	[sflag:s26] =	ssyncadd.s32 $0xFFFFF800  }
0x3f: {  	[spmem:s20] =	stream.linear.scatter [tilespmem:s25], [sflag:$0x4], $0x4000, $0x38;
	[tilespmem:$0x1C900] =	vst v63  }
0x40: {  	_ =	swait.ge [sflag:s26], $0x4000  }
0x41: {  	[sflag:s26] =	ssyncset.done $0x0  }
0x42: {  	s16 =	rddreg [dreg:$0x8];
	[sflag:s26] =	ssyncadd.s32 $0xFFFFC000  }
0x43: {  	[spmem:s16] =	stream.linear.scatter [tilespmem:s28], [sflag:$0x4], $0x800, $0x38;
	[tilespmem:$0x1C900] =	vst v63  }
0x44: {  	_ =	swait.ge [sflag:s26], $0x800  }
0x45: {  	[sflag:s26] =	ssyncset.done $0x0  }
0x46: {  	s17 =	rddreg [dreg:$0x9];
	[sflag:s26] =	ssyncadd.s32 $0xFFFFF800  }
0x47: {  	[spmem:s17] =	stream.linear.scatter [tilespmem:s25], [sflag:$0x4], $0x4000, $0x38;
	[tilespmem:$0x1C900] =	vst v63  }
0x48: {  	_ =	swait.ge [sflag:s26], $0x4000  }
0x49: {  	[sflag:s26] =	ssyncset.done $0x0  }
0x4a: {  	s18 =	rddreg [dreg:$0xa];
	[sflag:s26] =	ssyncadd.s32 $0xFFFFC000  }
0x4b: {  	[spmem:s18] =	stream.linear.scatter [tilespmem:s28], [sflag:$0x4], $0x800, $0x38;
	[tilespmem:$0x1C900] =	vst v63  }
0x4c: {  	_ =	swait.ge [sflag:s26], $0x800  }
0x4d: {  	[sflag:s26] =	ssyncset.done $0x0  }
0x4e: {  	s19 =	rddreg [dreg:$0xb];
	[sflag:s26] =	ssyncadd.s32 $0xFFFFF800  }
0x4f: {  	[spmem:s19] =	stream.linear.scatter [tilespmem:s25], [sflag:$0x4], $0x4000, $0x38;
	[tilespmem:$0x1C900] =	vst v63  }
0x50: {  	_ =	swait.ge [sflag:s26], $0x4000  }
0x51: {  	[sflag:s26] =	ssyncset.done $0x0  }
0x52: {  	s20 =	rddreg [dreg:$0xc];
	[sflag:s26] =	ssyncadd.s32 $0xFFFFC000  }
0x53: {  	[spmem:s20] =	stream.linear.scatter [tilespmem:s28], [sflag:$0x4], $0x800, $0x38;
	[tilespmem:$0x1C900] =	vst v63  }
0x54: {  	_ =	swait.ge [sflag:s26], $0x800  }
0x55: {  	[sflag:s26] =	ssyncset.done $0x0  }
0x56: {  	[sflag:s26] =	ssyncadd.s32 $0xFFFFF800  }
0x57: {  	s15 =	simm.s32 $0x0;
	s16 =	simm.s32 $0x0;
	[bflag:$0x0] =	sbarrier.arrive $0xFFFF  }
.LBB2_4:
0x58: {  	s17 =	sadd.s32 s21, s16  }
0x59: {  	s18 =	sshll.u32 s17, $0x4  }
0x5a: {  	s19 =	sadd.s32 s9, s18  }
0x5b: {  	[tilespmem:s15], [sflag:$0x4] =	stream.linear.gather [hbm4b:s19+s15], $0x80, $0x38;
	[tilespmem:$0x1C900] =	vst v63  }
0x5c: {  	_ =	swait.ge [sflag:s26], $0x80  }
0x5d: {  	[sflag:s26] =	ssyncset.done $0x0  }
0x5e: {  	s18 =	sadd.s32 s10, s18;
	[sflag:s26] =	ssyncadd.s32 $0xFFFFFF80  }
0x5f: {  	[tilespmem:s29], [sflag:$0x4] =	stream.linear.gather [hbm4b:s18+s15], $0x80, $0x38;
	[tilespmem:$0x1C900] =	vst v63  }
0x60: {  	_ =	swait.ge [sflag:s26], $0x80  }
0x61: {  	[sflag:s26] =	ssyncset.done $0x0  }
0x62: {  	[sflag:s26] =	ssyncadd.s32 $0xFFFFFF80  }
0x63: {  	[tilespmem:s30], [sflag:$0x1] =	stream.indirect.gather [hbm4b:s6+s29], $0x10, s15, s29, $0xb8;
	[tilespmem:$0x1C900] =	vst v63  }
0x64: {  	_ = 	snop  }
0x65: {  	[tilespmem:s31], [sflag:$0x2] =	stream.indirect.gather [hbm4b:s7+s29], $0x10, s29, s29, $0xb8;
	[tilespmem:$0x1C900] =	vst v63  }
0x66: {  	s17 =	sshll.u32 s17, $0x8  }
0x67: {  	[tilespmem:s25], [sflag:$0x3] =	stream.indirect.gather [hbm4b:s5+s29], $0x80, s15, s29, $0xb8;
	[tilespmem:$0x1C900] =	vst v63  }
0x68: {  	s17 =	sadd.s32 s8, s17  }
0x69: {  	[tilespmem:s0], [sflag:$0x4] =	stream.linear.gather [hbm4b:s17+s15], $0x800, $0x38;
	[tilespmem:$0x1C900] =	vst v63  }
0x6a: {  	_ =	swait.ge [sflag:s26], $0x800  }
0x6b: {  	[sflag:s26] =	ssyncset.done $0x0  }
0x6c: {  	[sflag:s26] =	ssyncadd.s32 $0xFFFFF800  }
0x6d: {  	_ =	swait.ge [sflag:s2], $0x800  }
0x6e: {  	[sflag:s2] =	ssyncset.done $0x0  }
0x6f: {  	[sflag:s2] =	ssyncadd.s32 $0xFFFFF800  }
0x70: {  	_ =	swait.ge [sflag:s13], $0x800  }
0x71: {  	[sflag:s13] =	ssyncset.done $0x0  }
0x72: {  	s18 =	simm.s32 $0x0;
	[sflag:s13] =	ssyncadd.s32 $0xFFFFF800  }
0x73: {  	v9 =	vld [tilespmem:s18+$0x1170]  }
0x74: {  	v10 =	vld [tilespmem:s18+$0x1970];
	_ =	sdelay $0x1  }
0x75: {  	v12 =	vld [tilespmem:s18+$0x170];
	_ =	sdelay $0x2  }
0x76: {  	v11 =	vld [tilespmem:s18+$0x1100];
	v9 =	vadd.f32 v10, v9  }
0x77: {  	v13 =	vld [tilespmem:s18+$0x1900]  }
0x78: {  	v14 =	vld [tilespmem:s18+$0x1110];
	v9 =	vadd.f32 v12, v9  }
0x79: {  	v15 =	vld [tilespmem:s18+$0x1910]  }
0x7a: {  	v16 =	vld [tilespmem:s18+$0x1920];
	v18 =	vmul.f32 $2.000000030e-01, v9  }
0x7b: {  	v17 =	vld [tilespmem:s18+$0x1930]  }
0x7c: {  	v19 =	vld [tilespmem:s18+$0x1140];
	v9 =	vmax.f32 v9, v18  }
0x7d: {  	v20 =	vld [tilespmem:s18+$0x1940];
	v9 =	vmul.f32 $1.442695020e+00, v9  }
0x7e: {  	v21 =	vld [tilespmem:s18+$0x1950]  }
0x7f: {  	v22 =	vld [tilespmem:s18+$0x1160];
	(erf) = vpow2.f32 v9  }
0x80: {  	v23 =	vld [tilespmem:s18+$0x100]  }
0x81: {  	v24 =	vld [tilespmem:s18+$0x110]  }
0x82: {  	v25 =	vld [tilespmem:s18+$0x120]  }
0x83: {  	v26 =	vld [tilespmem:s18+$0x130]  }
0x84: {  	v27 =	vld [tilespmem:s18+$0x140]  }
0x85: {  	s17 =	simm.s32 $0x80;
	v10 =	vld [tilespmem:s18+$0x1120]  }
0x86: {  	v30 =	vld [tilespmem:s17+$0x1170]  }
0x87: {  	v11 =	vadd.f32 v13, v11;
	v14 =	vadd.f32 v15, v14;
	v12 =	vld [tilespmem:s18+$0x1130]  }
0x88: {  	v32 =	vld [tilespmem:s17+$0x1970];
	v31 =	vpop (erf)  }
0x89: {  	v28 =	vld [tilespmem:s18+$0x150];
	v11 =	vadd.f32 v23, v11;
	v14 =	vadd.f32 v24, v14;
	[tilespmem:s18+$0x970] =	vst v31  }
0x8a: {  	v10 =	vadd.f32 v16, v10;
	v13 =	vld [tilespmem:s17+$0x170]  }
0x8b: {  	v29 =	vld [tilespmem:s18+$0x160];
	v51 =	vmul.f32 $2.000000030e-01, v11;
	v33 =	vmul.f32 $2.000000030e-01, v14  }
0x8c: {  	v18 =	vld [tilespmem:s18+$0x1150];
	v10 =	vadd.f32 v25, v10;
	v12 =	vadd.f32 v17, v12  }
0x8d: {  	v30 =	vadd.f32 v32, v30;
	v11 =	vmax.f32 v11, v51;
	v14 =	vmax.f32 v14, v33;
	v9 =	vld [tilespmem:s18+$0x1960]  }
0x8e: {  	v11 =	vmul.f32 $1.442695020e+00, v11;
	v53 =	vmul.f32 $2.000000030e-01, v10;
	v12 =	vadd.f32 v26, v12;
	v31 =	vld [tilespmem:s17+$0x1100]  }
0x8f: {  	v14 =	vmul.f32 $1.442695020e+00, v14;
	v15 =	vld [tilespmem:s17+$0x1900];
	v13 =	vadd.f32 v13, v30  }
0x90: {  	(erf) = vpow2.f32 v11;
	v10 =	vmax.f32 v10, v53;
	v11 =	vmul.f32 $2.000000030e-01, v12;
	v16 =	vld [tilespmem:s17+$0x1110]  }
0x91: {  	v19 =	vadd.f32 v20, v19;
	v10 =	vmul.f32 $1.442695020e+00, v10;
	v23 =	vld [tilespmem:s17+$0x1910];
	v58 =	vmul.f32 $2.000000030e-01, v13  }
0x92: {  	(erf) = vpow2.f32 v14;
	v18 =	vadd.f32 v21, v18;
	v11 =	vmax.f32 v12, v11;
	v52 =	vld [tilespmem:s17+$0x1120]  }
0x93: {  	v11 =	vmul.f32 $1.442695020e+00, v11;
	(erf) = vpow2.f32 v10;
	v17 =	vld [tilespmem:s17+$0x1920];
	v12 =	vmax.f32 v13, v58  }
0x94: {  	v9 =	vadd.f32 v9, v22;
	v34 =	vld [tilespmem:s17+$0x1130];
	v10 =	vmul.f32 $1.442695020e+00, v12;
	v12 =	vadd.f32 v27, v19  }
0x95: {  	(erf) = vpow2.f32 v11;
	v54 =	vld [tilespmem:s17+$0x1930];
	v13 =	vadd.f32 v28, v18  }
0x96: {  	v55 =	vld [tilespmem:s17+$0x1140];
	v19 =	vadd.f32 v29, v9;
	(erf) = vpow2.f32 v10;
	v10 =	vmul.f32 $2.000000030e-01, v12  }
0x97: {  	v56 =	vld [tilespmem:s17+$0x1940];
	v28 =	vmul.f32 $2.000000030e-01, v13  }
0x98: {  	v57 =	vld [tilespmem:s17+$0x1150];
	v29 =	vmul.f32 $2.000000030e-01, v19;
	v10 =	vmax.f32 v12, v10  }
0x99: {  	v14 =	vld [tilespmem:s17+$0x1950];
	v12 =	vmax.f32 v13, v28;
	v61 =	vmul.f32 $1.442695020e+00, v10  }
0x9a: {  	v20 =	vld [tilespmem:s17+$0x1160];
	v25 =	vadd.f32 v17, v52;
	v19 =	vmax.f32 v19, v29;
	v17 =	vmul.f32 $1.442695020e+00, v12  }
0x9b: {  	v60 =	vpop (erf);
	v22 =	vld [tilespmem:s17+$0x100];
	v29 =	vmul.f32 $1.442695020e+00, v19;
	(erf) = vpow2.f32 v61  }
0x9c: {  	v21 =	vld [tilespmem:s17+$0x1960];
	v10 =	vpop (erf);
	(erf) = vpow2.f32 v17  }
0x9d: {  	v18 =	vld [tilespmem:s17+$0x110];
	(erf) = vpow2.f32 v29  }
0x9e: {  	v59 =	vld [tilespmem:s17+$0x120];
	v15 =	vadd.f32 v15, v31  }
0x9f: {  	v11 =	vld [tilespmem:s17+$0x130]  }
0xa0: {  	v23 =	vadd.f32 v23, v16;
	v9 =	vld [tilespmem:s17+$0x140];
	[tilespmem:s18+$0x900] =	vst v60;
	v19 =	vadd.f32 v22, v15  }
0xa1: {  	v13 =	vld [tilespmem:s17+$0x150];
	v15 =	vadd.f32 v14, v57;
	v14 =	vadd.f32 v21, v20;
	[tilespmem:s18+$0x910] =	vst v10;
	v62 =	vpop (erf)  }
0xa2: {  	s19 =	simm.s32 $0x100;
	v20 =	vadd.f32 v18, v23;
	v10 =	vadd.f32 v54, v34;
	v16 =	vld [tilespmem:s17+$0x160];
	[tilespmem:s18+$0x920] =	vst v62;
	v63 =	vpop (erf)  }
0xa3: {  	s20 =	simm.s32 $0x600;
	v12 =	vadd.f32 v56, v55;
	v18 =	vadd.f32 v59, v25;
	v21 =	vmul.f32 $2.000000030e-01, v19;
	v17 =	vld [tilespmem:s19+$0x1170];
	[tilespmem:s18+$0x930] =	vst v63;
	v22 =	vpop (erf)  }
.LBB2_5:
0xa4: {  	p0 =	sne.s32 s20, $0x1E00;
	v23 =	vld [tilespmem:s19+$0x1970];
	v24 =	vmul.f32 $2.000000030e-01, v20;
	v10 =	vadd.f32 v11, v10;
	[tilespmem:s17+$0x970] =	vst v22;
	v11 =	vpop (erf)  }
0xa5: {  	v22 =	vld [tilespmem:s19+$0x1100];
	v19 =	vmax.f32 v19, v21;
	v21 =	vmul.f32 $2.000000030e-01, v18;
	v9 =	vadd.f32 v9, v12;
	[tilespmem:s18+$0x940] =	vst v11;
	v11 =	vpop (erf)  }
0xa6: {  	v12 =	vld [tilespmem:s19+$0x170];
	v20 =	vmax.f32 v20, v24;
	v24 =	vmul.f32 $2.000000030e-01, v10;
	v13 =	vadd.f32 v13, v15;
	[tilespmem:s18+$0x950] =	vst v11;
	v11 =	vpop (erf)  }
0xa7: {  	v15 =	vld [tilespmem:s19+$0x1900];
	v18 =	vmax.f32 v18, v21;
	v21 =	vmul.f32 $2.000000030e-01, v9;
	v14 =	vadd.f32 v16, v14;
	[tilespmem:s18+$0x960] =	vst v11;
	s18 =	smov.u32 s17;
	s17 =	smov.u32 s19  }
0xa8: {  	v16 =	vmul.f32 $1.442695020e+00, v19;
	v11 =	vld [tilespmem:s17+$0x1110];
	v10 =	vmax.f32 v10, v24;
	v19 =	vmul.f32 $2.000000030e-01, v13  }
0xa9: {  	v24 =	vld [tilespmem:s17+$0x1910];
	v17 =	vadd.f32 v23, v17;
	v9 =	vmax.f32 v9, v21;
	v21 =	vmul.f32 $2.000000030e-01, v14  }
0xaa: {  	v20 =	vmul.f32 $1.442695020e+00, v20;
	v18 =	vmul.f32 $1.442695020e+00, v18;
	v23 =	vld [tilespmem:s17+$0x1120];
	v13 =	vmax.f32 v13, v19  }
0xab: {  	v10 =	vmul.f32 $1.442695020e+00, v10;
	v19 =	vld [tilespmem:s17+$0x1920];
	v12 =	vadd.f32 v12, v17;
	v14 =	vmax.f32 v14, v21  }
0xac: {  	v9 =	vmul.f32 $1.442695020e+00, v9;
	v13 =	vmul.f32 $1.442695020e+00, v13;
	v17 =	vadd.f32 v15, v22;
	v15 =	vld [tilespmem:s17+$0x1130]  }
0xad: {  	v14 =	vmul.f32 $1.442695020e+00, v14;
	v21 =	vld [tilespmem:s17+$0x1930];
	v22 =	vmul.f32 $2.000000030e-01, v12  }
0xae: {  	v24 =	vadd.f32 v24, v11;
	v11 =	vld [tilespmem:s17+$0x1140];
	(erf) = vpow2.f32 v16  }
0xaf: {  	v16 =	vld [tilespmem:s17+$0x1940];
	v12 =	vmax.f32 v12, v22;
	(erf) = vpow2.f32 v20  }
0xb0: {  	v22 =	vadd.f32 v19, v23;
	v19 =	vld [tilespmem:s17+$0x1150];
	v12 =	vmul.f32 $1.442695020e+00, v12;
	(erf) = vpow2.f32 v18  }
0xb1: {  	v18 =	vld [tilespmem:s17+$0x1950];
	(erf) = vpow2.f32 v10  }
0xb2: {  	v10 =	vadd.f32 v21, v15;
	v20 =	vld [tilespmem:s17+$0x1160];
	(erf) = vpow2.f32 v12  }
0xb3: {  	v21 =	vld [tilespmem:s17+$0x1960];
	(erf) = vpow2.f32 v9  }
0xb4: {  	v23 =	vld [tilespmem:s17+$0x100];
	v12 =	vadd.f32 v16, v11;
	(erf) = vpow2.f32 v13  }
0xb5: {  	v16 =	vld [tilespmem:s17+$0x110];
	(erf) = vpow2.f32 v14  }
0xb6: {  	v25 =	vld [tilespmem:s17+$0x120];
	v15 =	vadd.f32 v18, v19  }
.Ltmp1:
0xb7: {  	v11 =	vld [tilespmem:s17+$0x130];
	v13 =	vpop (erf);
	(pc) =	sbr.rel @p0 .LBB2_5-.Ltmp1, $4  }
0xb8: {  	v9 =	vld [tilespmem:s17+$0x140];
	v14 =	vadd.f32 v21, v20;
	[tilespmem:s18+$0x900] =	vst v13;
	v18 =	vpop (erf)  }
0xb9: {  	v19 =	vadd.f32 v23, v17;
	v13 =	vld [tilespmem:s17+$0x150];
	[tilespmem:s18+$0x910] =	vst v18;
	v17 =	vpop (erf)  }
0xba: {  	s19 =	sshra.s32 s20, $0x2;
	v20 =	vadd.f32 v16, v24;
	v16 =	vld [tilespmem:s17+$0x160];
	[tilespmem:s18+$0x920] =	vst v17;
	v23 =	vpop (erf)  }
0xbb: {  	s20 =	sadd.s32 $0x200, s20;
	v17 =	vld [tilespmem:s19+$0x1170];
	v21 =	vmul.f32 $2.000000030e-01, v19;
	v18 =	vadd.f32 v25, v22;
	v22 =	vpop (erf);
	[tilespmem:s18+$0x930] =	vst v23  }
0xbc: {  	v23 =	vld [tilespmem:s19+$0x1970];
	[tilespmem:s17+$0x970] =	vst v22;
	v58 =	vpop (erf)  }
0xbd: {  	v24 =	vld [tilespmem:s19+$0x1100];
	[tilespmem:s18+$0x940] =	vst v58;
	v59 =	vpop (erf)  }
0xbe: {  	v25 =	vld [tilespmem:s19+$0x170];
	[tilespmem:s18+$0x950] =	vst v59;
	v60 =	vpop (erf)  }
0xbf: {  	v26 =	vld [tilespmem:s19+$0x1900];
	[tilespmem:s18+$0x960] =	vst v60  }
0xc0: {  	v22 =	vld [tilespmem:s19+$0x1110]  }
0xc1: {  	v27 =	vld [tilespmem:s19+$0x1910]  }
0xc2: {  	v28 =	vld [tilespmem:s19+$0x1120]  }
0xc3: {  	v30 =	vmul.f32 $2.000000030e-01, v20;
	v19 =	vmax.f32 v19, v21;
	v29 =	vld [tilespmem:s19+$0x1920]  }
0xc4: {  	v10 =	vadd.f32 v11, v10;
	v37 =	vmul.f32 $2.000000030e-01, v18;
	v19 =	vmul.f32 $1.442695020e+00, v19;
	v61 =	vld [tilespmem:s19+$0x1130]  }
0xc5: {  	v9 =	vadd.f32 v9, v12;
	v20 =	vmax.f32 v20, v30;
	v38 =	vadd.f32 v13, v15;
	v31 =	vld [tilespmem:s19+$0x1930]  }
0xc6: {  	v20 =	vmul.f32 $1.442695020e+00, v20;
	v62 =	vld [tilespmem:s19+$0x1140];
	(erf) = vpow2.f32 v19;
	v11 =	vadd.f32 v23, v17  }
0xc7: {  	v40 =	vmul.f32 $2.000000030e-01, v10;
	v14 =	vadd.f32 v16, v14;
	v18 =	vmax.f32 v18, v37;
	v63 =	vld [tilespmem:s19+$0x1940]  }
0xc8: {  	v42 =	vmul.f32 $2.000000030e-01, v9;
	v39 =	vld [tilespmem:s19+$0x1160];
	(erf) = vpow2.f32 v20;
	v11 =	vadd.f32 v25, v11  }
0xc9: {  	v43 =	vmul.f32 $2.000000030e-01, v38;
	v10 =	vmax.f32 v10, v40;
	v34 =	vld [tilespmem:s19+$0x110];
	v18 =	vmul.f32 $1.442695020e+00, v18  }
0xca: {  	v46 =	vld [tilespmem:s19+$0x120];
	v45 =	vmul.f32 $2.000000030e-01, v14;
	v9 =	vmax.f32 v9, v42;
	v33 =	vmul.f32 $2.000000030e-01, v11  }
0xcb: {  	v47 =	vld [tilespmem:s19+$0x130];
	v10 =	vmul.f32 $1.442695020e+00, v10;
	v12 =	vmax.f32 v38, v43;
	(erf) = vpow2.f32 v18  }
0xcc: {  	v44 =	vld [tilespmem:s19+$0x100];
	v9 =	vmul.f32 $1.442695020e+00, v9;
	v14 =	vmax.f32 v14, v45;
	v11 =	vmax.f32 v11, v33  }
0xcd: {  	v41 =	vld [tilespmem:s19+$0x1960];
	(erf) = vpow2.f32 v10;
	v22 =	vadd.f32 v27, v22;
	v11 =	vmul.f32 $1.442695020e+00, v11  }
0xce: {  	v32 =	vld [tilespmem:s19+$0x1150];
	v10 =	vmul.f32 $1.442695020e+00, v12;
	v51 =	vadd.f32 v29, v28;
	v21 =	vadd.f32 v31, v61  }
0xcf: {  	v36 =	vld [tilespmem:s19+$0x1950];
	v48 =	vadd.f32 v26, v24;
	v53 =	vadd.f32 v34, v22;
	v49 =	vpop (erf);
	(erf) = vpow2.f32 v11  }
0xd0: {  	v50 =	vld [tilespmem:s19+$0x140];
	v12 =	vadd.f32 v46, v51;
	v15 =	vadd.f32 v47, v21;
	[tilespmem:s17+$0x900] =	vst v49;
	(erf) = vpow2.f32 v9  }
0xd1: {  	v55 =	vmul.f32 $2.000000030e-01, v53;
	v18 =	vld [tilespmem:s19+$0x150];
	v11 =	vpop (erf);
	(erf) = vpow2.f32 v10;
	v10 =	vadd.f32 v44, v48  }
0xd2: {  	v13 =	vadd.f32 v41, v39;
	v56 =	vmul.f32 $2.000000030e-01, v12;
	v9 =	vmul.f32 $1.442695020e+00, v14;
	[tilespmem:s17+$0x910] =	vst v11  }
0xd3: {  	v57 =	vmul.f32 $2.000000030e-01, v15;
	v11 =	vadd.f32 v63, v62;
	v52 =	vld [tilespmem:s19+$0x160];
	v54 =	vmul.f32 $2.000000030e-01, v10  }
0xd4: {  	v59 =	vmax.f32 v53, v55;
	(erf) = vpow2.f32 v9;
	v9 =	vadd.f32 v36, v32  }
0xd5: {  	v12 =	vmax.f32 v12, v56;
	v11 =	vadd.f32 v50, v11;
	v10 =	vmax.f32 v10, v54  }
0xd6: {  	v14 =	vmul.f32 $1.442695020e+00, v59;
	v9 =	vadd.f32 v18, v9;
	v10 =	vmul.f32 $1.442695020e+00, v10  }
0xd7: {  	v15 =	vmax.f32 v15, v57;
	v12 =	vmul.f32 $1.442695020e+00, v12;
	v58 =	vmul.f32 $2.000000030e-01, v11  }
0xd8: {  	v60 =	vmul.f32 $2.000000030e-01, v9;
	v13 =	vadd.f32 v52, v13;
	(erf) = vpow2.f32 v10  }
0xd9: {  	v10 =	vmax.f32 v11, v58;
	v11 =	vmul.f32 $1.442695020e+00, v15;
	(erf) = vpow2.f32 v14  }
0xda: {  	v9 =	vmax.f32 v9, v60;
	v10 =	vmul.f32 $1.442695020e+00, v10;
	v61 =	vmul.f32 $2.000000030e-01, v13  }
0xdb: {  	(erf) = vpow2.f32 v12;
	v9 =	vmul.f32 $1.442695020e+00, v9  }
0xdc: {  	v62 =	vpop (erf);
	(erf) = vpow2.f32 v11;
	v13 =	vmax.f32 v13, v61  }
0xdd: {  	[tilespmem:s17+$0x920] =	vst v62;
	v11 =	vpop (erf);
	(erf) = vpow2.f32 v10;
	v63 =	vmul.f32 $1.442695020e+00, v13  }
0xde: {  	v10 =	vpop (erf);
	[tilespmem:s17+$0x930] =	vst v11;
	(erf) = vpow2.f32 v9  }
0xdf: {  	[tilespmem:s19+$0x970] =	vst v10;
	v9 =	vpop (erf);
	(erf) = vpow2.f32 v63  }
0xe0: {  	v10 =	vpop (erf);
	[tilespmem:s17+$0x940] =	vst v9  }
0xe1: {  	[tilespmem:s17+$0x950] =	vst v10;
	v9 =	vpop (erf)  }
0xe2: {  	[tilespmem:s17+$0x960] =	vst v9;
	v9 =	vpop (erf)  }
0xe3: {  	[tilespmem:s19+$0x900] =	vst v9;
	v9 =	vpop (erf)  }
0xe4: {  	[tilespmem:s19+$0x910] =	vst v9;
	v9 =	vpop (erf)  }
0xe5: {  	[tilespmem:s19+$0x920] =	vst v9;
	v9 =	vpop (erf)  }
0xe6: {  	[tilespmem:s19+$0x930] =	vst v9;
	v9 =	vpop (erf)  }
0xe7: {  	[tilespmem:s19+$0x940] =	vst v9;
	v9 =	vpop (erf)  }
0xe8: {  	[tilespmem:s19+$0x950] =	vst v9;
	v9 =	vpop (erf)  }
0xe9: {  	[tilespmem:s19+$0x960] =	vst v9  }
0xea: {  	_ =	swait.ge [sflag:s14], $0x4000  }
0xeb: {  	[sflag:s14] =	ssyncset.done $0x0  }
0xec: {  	s17 =	simm.s32 $0x2140;
	[sflag:s14] =	ssyncadd.s32 $0xFFFFC000  }
0xed: {  	s20 =	simm.s32 $0x0;
	s18 =	simm.s32 $0x2140;
	s19 =	simm.s32 $0x40;
	v9 =	vld [tilespmem:s17+$0xFFFFFFF0]  }
.LBB2_7:
0xee: {  	p0 =	sne.s32 s19, $0x1FC0;
	v10 =	vld [tilespmem:s20+$0x900]  }
0xef: {  	v11 =	vld [tilespmem:s17+$0xFFFFFFD0]  }
0xf0: {  	v12 =	vld [tilespmem:s17+$0xFFFFFFC0]  }
0xf1: {  	v13 =	vld [tilespmem:s17+$0xFFFFFFE0]  }
0xf2: {  	v14 =	vld [tilespmem:s17+$0x30]  }
0xf3: {  	v15 =	vperm.xlane v10, v1;
	v16 =	vperm.xlane v10, v2;
	v17 =	vld [tilespmem:s17+$0x10]  }
0xf4: {  	v18 =	vperm.xlane v10, v3;
	v19 =	vperm.xlane v10, v4;
	v20 =	vld [tilespmem:s17+$0x0]  }
0xf5: {  	v12 =	vmul.f32 v12, v15;
	v11 =	vmul.f32 v11, v16;
	v15 =	vld [tilespmem:s17+$0x20]  }
0xf6: {  	v9 =	vmul.f32 v9, v19;
	v13 =	vmul.f32 v13, v18  }
0xf7: {  	v16 =	vperm.xlane v10, v6;
	[tilespmem:s17+$0xFFFFFFC0] =	vst v12;
	v12 =	vperm.xlane v10, v5  }
0xf8: {  	[tilespmem:s17+$0xFFFFFFD0] =	vst v11;
	v11 =	vperm.xlane v10, v7;
	v10 =	vperm.xlane v10, v8  }
0xf9: {  	[tilespmem:s17+$0xFFFFFFE0] =	vst v13;
	v12 =	vmul.f32 v20, v12;
	v13 =	vmul.f32 v17, v16  }
.Ltmp2:
0xfa: {  	[tilespmem:s17+$0xFFFFFFF0] =	vst v9;
	v9 =	vmul.f32 v15, v11;
	v10 =	vmul.f32 v14, v10;
	(pc) =	sbr.rel @p0 .LBB2_7-.Ltmp2, $4  }
0xfb: {  	[tilespmem:s17+$0x0] =	vst v12  }
0xfc: {  	[tilespmem:s17+$0x10] =	vst v13  }
0xfd: {  	s17 =	sadd.s32 $0x80, s17;
	[tilespmem:s18+$0x20] =	vst v9  }
0xfe: {  	s20 =	sshra.s32 s19, $0x2;
	s19 =	sadd.s32 $0x40, s19;
	v9 =	vld [tilespmem:s17+$0xFFFFFFF0];
	[tilespmem:s18+$0x30] =	vst v10;
	s18 =	smov.u32 s17  }
0xff: {  	v10 =	vld [tilespmem:s20+$0x900];
	_ =	sdelay $0x1  }
0x100: {  	v11 =	vld [tilespmem:s17+$0xFFFFFFC0]  }
0x101: {  	v12 =	vld [tilespmem:s17+$0xFFFFFFD0]  }
0x102: {  	v13 =	vld [tilespmem:s17+$0xFFFFFFE0]  }
0x103: {  	v14 =	vperm.xlane v10, v1  }
0x104: {  	v17 =	vld [tilespmem:s17+$0x10];
	v15 =	vperm.xlane v10, v2  }
0x105: {  	v16 =	vld [tilespmem:s17+$0x0];
	v18 =	vperm.xlane v10, v3;
	v11 =	vmul.f32 v11, v14  }
0x106: {  	v60 =	vld [tilespmem:s17+$0x20];
	v59 =	vperm.xlane v10, v4;
	v12 =	vmul.f32 v12, v15  }
0x107: {  	v19 =	vld [tilespmem:s17+$0x30];
	v61 =	vperm.xlane v10, v6;
	v13 =	vmul.f32 v13, v18;
	[tilespmem:s17+$0xFFFFFFC0] =	vst v11  }
0x108: {  	v9 =	vmul.f32 v9, v59;
	v11 =	vperm.xlane v10, v5;
	[tilespmem:s17+$0xFFFFFFD0] =	vst v12  }
0x109: {  	v62 =	vperm.xlane v10, v7;
	v63 =	vmul.f32 v17, v61;
	[tilespmem:s17+$0xFFFFFFE0] =	vst v13  }
0x10a: {  	v10 =	vperm.xlane v10, v8;
	[tilespmem:s17+$0xFFFFFFF0] =	vst v9;
	v11 =	vmul.f32 v16, v11  }
0x10b: {  	v9 =	vmul.f32 v60, v62;
	[tilespmem:s17+$0x10] =	vst v63  }
0x10c: {  	v10 =	vmul.f32 v19, v10;
	[tilespmem:s17+$0x0] =	vst v11  }
0x10d: {  	[tilespmem:s18+$0x20] =	vst v9  }
0x10e: {  	[tilespmem:s18+$0x30] =	vst v10  }
0x10f: {  	[spmem:s1] =	stream.indirect.scatter.add.f32 [tilespmem:s25], [sflag:$0x4], $0x80, s29, s29, $0xb8;
	[tilespmem:$0x1C900] =	vst v63  }
0x110: {  	s16 =	sadd.s32 $0x1, s16;
	_ =	swait.ge [sflag:s26], $0x4000  }
0x111: {  	p0 =	sne.s32 s16, $0x4F;
	[sflag:s26] =	ssyncset.done $0x0  }
.Ltmp3:
0x112: {  	[sflag:s26] =	ssyncadd.s32 $0xFFFFC000;
	(pc) =	sbr.rel @p0 .LBB2_4-.Ltmp3, $4  }
0x113: {  	[spmem:s3] =	stream.indirect.scatter.add.f32 [tilespmem:s28], [sflag:$0x4], $0x10, s29, s29, $0xb8;
	[tilespmem:$0x1C900] =	vst v63  }
0x114: {  	_ =	swait.ge [sflag:s26], $0x800  }
0x115: {  	[sflag:s26] =	ssyncset.done $0x0  }
0x116: {  	[sflag:s26] =	ssyncadd.s32 $0xFFFFF800  }
0x117: {  	s15 =	stileid.u32  }
0x118: {  	s15 =	sshll.u32 s15, $0x6  }
0x119: {  	[bflag:$0x0] =	sbarrier.arrive $0xFFFF;
	s16 =	sshrl.u32 s11, $0x3;
	s15 =	sor.u32 $0x1C04, s15  }
0x11a: {  	[hbm:s22], [sflag:s15] =	dma.local [spmem:s16], $0x2800  }
0x11b: {  	s4 =	sadd.s32 $0x1, s4;
	_ =	swait.ge [sflag:s26], $0x2800  }
0x11c: {  	p0 =	sne.s32 s4, s24;
	[sflag:s26] =	ssyncset.done $0x0  }
.Ltmp4:
0x11d: {  	s20 =	sshrl.u32 s12, $0x3;
	[sflag:s26] =	ssyncadd.s32 $0xFFFFD800;
	(pc) =	sbr.rel @p0 .LBB2_1-.Ltmp4, $4  }
0x11e: {  	[hbm:s23], [sflag:s15] =	dma.local [spmem:s20], $0x500  }
0x11f: {  	_ =	swait.ge [sflag:s26], $0x500  }
0x120: {  	[sflag:s26] =	ssyncset.done $0x0  }
0x121: {  	[sflag:s26] =	ssyncadd.s32 $0xFFFFFB00  }
0x122: {  	_ =	sfence.sel $0x180000  }
0x123: {  	[bflag:$0x0] =	sbarrier.arrive $0xFFFF  }
0x124: {  	_ =	strace $0x90000047  }
0x125: {  	s0 =	stileid.u32;
	[bflag:$0x2] =	sbarrier.arrive $0xFFFF  }
0x126: {  	p0 =	sne.s32 s0, $0x0;
	s0 =	rddreg [dreg:$0x4]  }
0x127: {  	s0 =	sadd.s32 @!p0 $0x100000, s0  }
0x128: {  	[sflag:s0] =	ssyncadd.tile.s32 @!p0 $0x1;
	_ =	shalt  }
.Lfunc_end2:
_tile_overlayer_lowered:
.L_overlay_start_2:
0x129: {  	(tag) =	ssettag $0x2  }
0x12a: {  	s0 =	rddreg [dreg:$0x0];
	s2 =	stileid.u32  }
0x12b: {  	s1 =	rddreg [dreg:$0x1];
	p0 =	sne.s32 s2, $0x0  }
0x12c: {  	s3 =	rddreg [dreg:$0x2];
	[bflag:$0x3] =	sbarrier.arrive $0xFFFF;
	s2 =	simm.s32 @!p0 $0x1C04  }
0x12d: {  	[timem:s3], [sflag:s2] =	dma.local @!p0 [hbm:s0], s1  }
0x12e: {  	s0 =	simm.s32 @!p0 $0x4  }
0x12f: {  	_ =	swait.ge @!p0 [sflag:s0], s1  }
0x130: {  	s1 =	ssub.s32 @!p0 $0x0, s1;
	[sflag:s0] =	ssyncset.done @!p0 $0x0  }
0x131: {  	[sflag:s0] =	ssyncadd.s32 @!p0 s1  }
0x132: {  	[bflag:$0x3] =	sbarrier.arrive $0xFFFF  }
0x133: {  	_ =	shalt  }

</sc_bundles>
